<compile_context>
chip_gen: v7x
topology: tpu7x:2x2x1
jax: 0.10.2.dev20260603
libtpu: 0.0.44.dev20260713+nightly
codegen_flags: <defaults>
</compile_context>

<pallas_src>
import functools

import jax
import jax.numpy as jnp
from jax import lax
from jax.experimental import pallas as pl
from jax.experimental.pallas import tpu as pltpu
from jax.experimental.pallas import tpu_sc as plsc

NUM_FEATURES = 26
VOCAB = 100000
DIM = 32
BATCH = 4096

LANES = 16
NBPAD = 784
CHUNK_B = 5
CW = CHUNK_B * 128
NCHUNKS = 156
CHUNKS_PER_W = 5
NBUF = 4
TAIL_C0 = NCHUNKS * CW
TAIL_CW = VOCAB - TAIL_C0
RING = 64


def _bucket_kernel(x_hbm, sorted_hbm, starts_hbm, xv, cur, sorted_v,
                   starts_v):
    wid = lax.axis_index("s") * 2 + lax.axis_index("c")

    @pl.when(wid < NUM_FEATURES)
    def _():
        f = wid
        pltpu.sync_copy(x_hbm.at[pl.ds(f * BATCH, BATCH)], xv)

        iota = lax.iota(jnp.int32, LANES)
        zeros = jnp.zeros((LANES,), jnp.int32)
        ones = jnp.ones((LANES,), jnp.int32)

        def zero_chunk(j, c):
            cur[pl.ds(j * LANES, LANES)] = zeros
            return c

        lax.fori_loop(0, NBPAD, zero_chunk, 0, unroll=False)

        def hist(i, c):
            v = xv[pl.ds(i * LANES, LANES)]
            addr = (v >> 7) * LANES + iota
            plsc.addupdate_scatter(cur, [addr], ones)
            return c

        lax.fori_loop(0, BATCH // LANES, hist, 0, unroll=False)

        def scan(j, run):
            c = cur[pl.ds(j * LANES, LANES)]
            s = plsc.cumsum(c)
            cur[pl.ds(j * LANES, LANES)] = s - c + run
            return run + jnp.sum(c)

        lax.fori_loop(0, NBPAD, scan, jnp.int32(0), unroll=False)

        def bounds(j, c):
            starts_v[pl.ds(j * LANES, LANES)] = plsc.load_gather(
                cur, [(j * LANES + iota) * LANES]
            )
            return c

        lax.fori_loop(0, NBPAD // LANES, bounds, 0, unroll=False)

        def permute(i, c):
            v = xv[pl.ds(i * LANES, LANES)]
            addr = (v >> 7) * LANES + iota
            pos = plsc.load_gather(cur, [addr])
            plsc.store_scatter(cur, [addr], pos + 1)
            packed = (v << 12) + (i * LANES + iota)
            plsc.store_scatter(sorted_v, [pos], packed)
            return c

        lax.fori_loop(0, BATCH // LANES, permute, 0, unroll=False)

        pltpu.sync_copy(sorted_v, sorted_hbm.at[pl.ds(f * BATCH, BATCH)])
        pltpu.sync_copy(starts_v, starts_hbm.at[pl.ds(f * NBPAD, NBPAD)])


def _sget(ref, idx):
    return ref[pl.ds(idx, LANES)][0]


def _sweep_kernel(sorted_hbm, starts_hbm, tab_hbm, out_hbm, starts_v, sv,
                  blk, blkt, ring, sem_blk, sem_out, sem_sv):
    wid = lax.axis_index("s") * 2 + lax.axis_index("c")
    iota = lax.iota(jnp.int32, LANES)
    ntasks = NUM_FEATURES * CHUNKS_PER_W

    pltpu.sync_copy(
        starts_hbm, starts_v.at[pl.ds(0, NUM_FEATURES * NBPAD)]
    )

    def fire_row(src_lo, src_hi, b, f, fc):
        slot = fc % RING

        @pl.when(fc >= RING)
        def _():
            pltpu.make_async_copy(
                ring.at[0], out_hbm.at[pl.ds(0, DIM)], sem_out
            ).wait()

        ring[slot, pl.ds(0, LANES)] = src_lo
        ring[slot, pl.ds(LANES, LANES)] = src_hi
        pltpu.async_copy(
            ring.at[slot], out_hbm.at[pl.ds(b * 832 + f * DIM, DIM)], sem_out
        )
        return fc + 1

    def chunk_of(t):
        f = t // CHUNKS_PER_W
        c = t % CHUNKS_PER_W
        ch = wid * CHUNKS_PER_W + c
        return f, ch

    def issue_read(t):
        f, ch = chunk_of(t)

        @pl.when(jnp.logical_and(t < ntasks, ch < NCHUNKS))
        def _():
            pltpu.async_copy(
                tab_hbm.at[pl.ds(f * DIM, DIM), pl.ds(ch * CW, CW)],
                blk.at[t % NBUF],
                sem_blk,
            )

    def issue_sv(f):
        @pl.when(f < NUM_FEATURES)
        def _():
            pltpu.async_copy(
                sorted_hbm.at[pl.ds(f * BATCH, BATCH)],
                sv.at[f % 2, pl.ds(0, BATCH)],
                sem_sv,
            )

    def wait_sv():
        pltpu.make_async_copy(
            sorted_hbm.at[pl.ds(0, BATCH)], sv.at[0, pl.ds(0, BATCH)],
            sem_sv,
        ).wait()

    issue_sv(0)
    issue_sv(1)
    wait_sv()
    for t in range(NBUF):
        issue_read(t)

    def do_task(t, fc):
        f, ch = chunk_of(t)
        valid = ch < NCHUNKS

        @pl.when(jnp.logical_and(t % CHUNKS_PER_W == 0, t > 0))
        def _():
            wait_sv()
            issue_sv(f + 1)

        @pl.when(valid)
        def _():
            pltpu.make_async_copy(
                tab_hbm.at[pl.ds(0, DIM), pl.ds(0, CW)], blk.at[t % NBUF],
                sem_blk,
            ).wait()

        vb_first = ch * CHUNK_B
        s0 = _sget(starts_v, f * NBPAD + vb_first)
        e0 = _sget(starts_v, f * NBPAD + vb_first + CHUNK_B)
        s0 = jnp.where(valid, s0, 0)
        e0 = jnp.where(valid, e0, 0)

        def do_entry(e, fc3):
            packed = sv[f % 2, pl.ds(e, LANES)][0]
            v = packed >> 12
            b = packed & 4095
            col = v - vb_first * 128
            lo = plsc.load_gather(
                blk,
                [jnp.full((LANES,), t % NBUF, jnp.int32), iota,
                 jnp.full((LANES,), 0, jnp.int32) + col],
            )
            hi = plsc.load_gather(
                blk,
                [jnp.full((LANES,), t % NBUF, jnp.int32), iota + LANES,
                 jnp.full((LANES,), 0, jnp.int32) + col],
            )
            return fire_row(lo, hi, b, f, fc3)

        fc2 = lax.fori_loop(s0, e0, do_entry, fc, unroll=False)
        issue_read(t + NBUF)
        return fc2

    fc = lax.fori_loop(0, ntasks, do_task, jnp.int32(0), unroll=False)

    has_tail = wid < NUM_FEATURES
    ft = jnp.minimum(wid, NUM_FEATURES - 1)

    @pl.when(has_tail)
    def _():
        pltpu.sync_copy(sorted_hbm.at[pl.ds(ft * BATCH, BATCH)],
                        sv.at[0, pl.ds(0, BATCH)])
        pltpu.sync_copy(
            tab_hbm.at[pl.ds(ft * DIM, DIM), pl.ds(TAIL_C0, TAIL_CW)], blkt
        )

    s0 = jnp.where(has_tail, _sget(starts_v, ft * NBPAD + NCHUNKS * CHUNK_B),
                   0)
    e0 = jnp.where(has_tail,
                   _sget(starts_v, ft * NBPAD + NCHUNKS * CHUNK_B + 2), 0)

    def tail_entry(e, fc3):
        packed = sv[0, pl.ds(e, LANES)][0]
        v = packed >> 12
        b = packed & 4095
        col = v - TAIL_C0
        lo = plsc.load_gather(
            blkt, [iota, jnp.full((LANES,), 0, jnp.int32) + col]
        )
        hi = plsc.load_gather(
            blkt, [iota + LANES, jnp.full((LANES,), 0, jnp.int32) + col]
        )
        return fire_row(lo, hi, b, ft, fc3)

    fc2 = lax.fori_loop(s0, e0, tail_entry, fc, unroll=False)

    remaining = jnp.minimum(fc2, RING)

    def drain(j, c):
        @pl.when(j < remaining)
        def _():
            pltpu.make_async_copy(
                ring.at[0], out_hbm.at[pl.ds(0, DIM)], sem_out
            ).wait()
        return c

    lax.fori_loop(0, RING, drain, 0, unroll=False)


@jax.jit
def _emb(x_flat, tab2):
    mesh = plsc.VectorSubcoreMesh(core_axis_name="c", subcore_axis_name="s")

    bucket = functools.partial(
        pl.kernel,
        out_type=(
            jax.ShapeDtypeStruct((NUM_FEATURES * BATCH,), jnp.int32),
            jax.ShapeDtypeStruct((NUM_FEATURES * NBPAD,), jnp.int32),
        ),
        mesh=mesh,
        scratch_types=[
            pltpu.VMEM((BATCH,), jnp.int32),
            pltpu.VMEM((NBPAD * LANES,), jnp.int32),
            pltpu.VMEM((BATCH,), jnp.int32),
            pltpu.VMEM((NBPAD,), jnp.int32),
        ],
        compiler_params=pltpu.CompilerParams(needs_layout_passes=False),
    )(_bucket_kernel)
    sorted_a, starts_a = bucket(x_flat)

    sweep = functools.partial(
        pl.kernel,
        out_type=jax.ShapeDtypeStruct((BATCH * NUM_FEATURES * DIM,),
                                      jnp.float32),
        mesh=mesh,
        scratch_types=[
            pltpu.VMEM((NUM_FEATURES * NBPAD + LANES,), jnp.int32),
            pltpu.VMEM((2, BATCH + LANES), jnp.int32),
            pltpu.VMEM((NBUF, DIM, CW), jnp.float32),
            pltpu.VMEM((DIM, TAIL_CW), jnp.float32),
            pltpu.VMEM((RING, DIM), jnp.float32),
            pltpu.SemaphoreType.DMA,
            pltpu.SemaphoreType.DMA,
            pltpu.SemaphoreType.DMA,
        ],
        compiler_params=pltpu.CompilerParams(
            use_tc_tiling_on_sc=True, needs_layout_passes=False
        ),
    )(_sweep_kernel)
    return sweep(sorted_a, starts_a, tab2)


def kernel(x, tables):
    x_flat = x.astype(jnp.int32).T.reshape(NUM_FEATURES * BATCH)
    tab2 = jnp.transpose(tables, (0, 2, 1)).reshape(NUM_FEATURES * DIM, VOCAB)
    out = _emb(x_flat, tab2)
    return out.reshape(BATCH, NUM_FEATURES * DIM)

# --- scband reference (transcript-rebuilt; emitter-appended) ---
"""Pipeline reference for scband-embedding-layer-58600533786646 (READ-ONLY COPY).

The authoritative reference and input builder live on the scoring server;
editing this copy changes nothing except your own understanding.
"""

import jax, jax.numpy as jnp
import numpy as np

NUM_FEATURES = 26
VOCAB = 100000
DIM = 32


def setup_inputs(seed: int = 0) -> dict:
    key = jax.random.key(seed)
    k_idx, k_tab = jax.random.split(key)
    x = jax.random.randint(k_idx, (4096, NUM_FEATURES), 0, VOCAB, dtype=jnp.int64 if jax.config.read('jax_enable_x64') else jnp.int32)
    # xavier_uniform init per table: bound = sqrt(6 / (vocab + dim))
    bound = float(np.sqrt(6.0 / (VOCAB + DIM)))
    tables = jax.random.uniform(k_tab, (NUM_FEATURES, VOCAB, DIM), dtype=jnp.float32, minval=-bound, maxval=bound)
    return {"x": x, "tables": tables}


def reference(x, tables):
    # Per-feature embedding lookup, then concatenate along feature dim.
    parts = [jnp.take(tables[i], x[:, i], axis=0) for i in range(NUM_FEATURES)]
    return jnp.concatenate(parts, axis=1)

if __name__ == "__main__":
    import jax
    _d = setup_inputs()
    print(jax.jit(kernel)(*tuple(_d.values())))

</pallas_src>

<mosaic_0001>
#map = affine_map<(d0, d1) -> (0)>
module attributes {stable_mosaic.version = 14 : i64} {
  func.func @_bucket_kernel(%arg0: i32, %arg1: i32, %arg2: memref<106496xi32, #tpu.memory_space<hbm>>, %arg3: memref<106496xi32, #tpu.memory_space<hbm>>, %arg4: memref<20384xi32, #tpu.memory_space<hbm>>, %arg5: memref<4096xi32, #tpu.memory_space<vmem>>, %arg6: memref<12544xi32, #tpu.memory_space<vmem>>, %arg7: memref<4096xi32, #tpu.memory_space<vmem>>, %arg8: memref<784xi32, #tpu.memory_space<vmem>>) attributes {dimension_semantics = [#tpu.dimension_semantics<core_parallel>, #tpu.dimension_semantics<subcore_parallel>], iteration_bounds = array<i64: 2, 16>, scalar_prefetch = 0 : i64, scratch_operands = 4 : i64, tpu.core_type = #tpu.core_type<sc_vector_subcore>, window_params = [{transform_indices = #map}, {transform_indices = #map}, {transform_indices = #map}]} {
    %mul3A = arith.constant 2 : i32
    %mul3A_0 = arith.muli %arg1, %mul3A : i32
    %add3A = arith.addi %mul3A_0, %arg0 : i32
    %lt3A = arith.constant 26 : i32
    %lt3A_1 = arith.cmpi slt, %add3A, %lt3A : i32
    %convert_element_type3A = arith.extui %lt3A_1 : i1 to i32
    %cond3A = arith.constant 0 : i32
    %cond3A_2 = arith.cmpi ne, %convert_element_type3A, %cond3A : i32
    scf.if %cond3A_2 {
      %mul3A_3 = arith.constant 4096 : i32
      %mul3A_4 = arith.muli %add3A, %mul3A_3 : i32
      "tpu.region"() ({
        %run_scoped3A = tpu.sem_alloc : memref<!tpu.dma_semaphore, #tpu.memory_space<semaphore_mem>>
        %dma_start3A = tpu.memref_slice %arg2[%mul3A_4] : memref<106496xi32, #tpu.memory_space<hbm>> -> memref<4096xi32, #tpu.memory_space<hbm>>
        %dma_start3A_42 = tpu.memref_slice %arg2[%mul3A_4] : memref<106496xi32, #tpu.memory_space<hbm>> -> memref<4096xi32, #tpu.memory_space<hbm>>
        tpu.enqueue_dma source(%dma_start3A_42 : memref<4096xi32, #tpu.memory_space<hbm>>) target(%arg5 : memref<4096xi32, #tpu.memory_space<vmem>>) target_semaphore(%run_scoped3A : memref<!tpu.dma_semaphore, #tpu.memory_space<semaphore_mem>>)
        %dma_wait3A = tpu.memref_slice %arg2[%mul3A_4] : memref<106496xi32, #tpu.memory_space<hbm>> -> memref<4096xi32, #tpu.memory_space<hbm>>
        %dma_wait3A_43 = tpu.memref_slice %arg2[%mul3A_4] : memref<106496xi32, #tpu.memory_space<hbm>> -> memref<4096xi32, #tpu.memory_space<hbm>>
        tpu.wait_dma2 semaphore(%run_scoped3A : memref<!tpu.dma_semaphore, #tpu.memory_space<semaphore_mem>>) src(%dma_wait3A_43 : memref<4096xi32, #tpu.memory_space<hbm>>) dst(%arg5 : memref<4096xi32, #tpu.memory_space<vmem>>)
        tpu.yield
      }) : () -> ()
      %iota3A = tpu.iota {dimensions = array<i32: 0>} : vector<16xi32>
      %broadcast_in_dim3A = arith.constant 0 : i32
      %broadcast_in_dim3A_5 = vector.broadcast %broadcast_in_dim3A : i32 to vector<16xi32>
      %broadcast_in_dim3A_6 = arith.constant 1 : i32
      %broadcast_in_dim3A_7 = vector.broadcast %broadcast_in_dim3A_6 : i32 to vector<16xi32>
      %scan3A = arith.constant 0 : i32
      %scan3A_8 = arith.constant 0 : i32
      %scan3A_9 = arith.constant 784 : i32
      %scan3A_10 = arith.addi %scan3A_8, %scan3A_9 : i32
      %scan3A_11 = arith.constant 1 : i32
      scf.for %scan3A_42 = %scan3A_8 to %scan3A_10 step %scan3A_11  : i32 {
        %mul3A_43 = arith.constant 16 : i32
        %mul3A_44 = arith.muli %scan3A_42, %mul3A_43 : i32
        %swap3A = arith.index_cast %mul3A_44 : i32 to index
        %swap3A_45 = tpu.vector_load %arg6[%swap3A] {strides = array<i32>} : memref<12544xi32, #tpu.memory_space<vmem>>, vector<16xi32>,
        tpu.vector_store %arg6[%swap3A], %broadcast_in_dim3A_5 {strides = array<i32>} : memref<12544xi32, #tpu.memory_space<vmem>>, vector<16xi32>,
      }
      %scan3A_12 = arith.constant 784 : i32
      %scan3A_13 = arith.constant 0 : i32
      %scan3A_14 = arith.constant 0 : i32
      %scan3A_15 = arith.constant 256 : i32
      %scan3A_16 = arith.addi %scan3A_14, %scan3A_15 : i32
      %scan3A_17 = arith.constant 1 : i32
      scf.for %scan3A_42 = %scan3A_14 to %scan3A_16 step %scan3A_17  : i32 {
        %mul3A_43 = arith.constant 16 : i32
        %mul3A_44 = arith.muli %scan3A_42, %mul3A_43 : i32
        %get3A = arith.index_cast %mul3A_44 : i32 to index
        %get3A_45 = tpu.vector_load %arg5[%get3A] {strides = array<i32>} : memref<4096xi32, #tpu.memory_space<vmem>>, vector<16xi32>,
        %shift_right_arithmetic3A = arith.constant 7 : i32
        %shift_right_arithmetic3A_46 = vector.broadcast %shift_right_arithmetic3A : i32 to vector<16xi32>
        %shift_right_arithmetic3A_47 = arith.shrsi %get3A_45, %shift_right_arithmetic3A_46 : vector<16xi32>
        %mul3A_48 = arith.constant 16 : i32
        %mul3A_49 = vector.broadcast %mul3A_48 : i32 to vector<16xi32>
        %mul3A_50 = arith.muli %shift_right_arithmetic3A_47, %mul3A_49 : vector<16xi32>
        %add3A_51 = arith.addi %mul3A_50, %iota3A : vector<16xi32>
        tpu.vector_store_idx %arg6[%add3A_51], %broadcast_in_dim3A_7 {add = true} : memref<12544xi32, #tpu.memory_space<vmem>>[vector<16xi32>], vector<16xi32>,
      }
      %scan3A_18 = arith.constant 256 : i32
      %scan3A_19 = arith.constant 0 : i32
      %scan3A_20 = arith.constant 0 : i32
      %scan3A_21 = arith.constant 784 : i32
      %scan3A_22 = arith.addi %scan3A_20, %scan3A_21 : i32
      %scan3A_23 = arith.constant 1 : i32
      %scan3A_24 = scf.for %scan3A_42 = %scan3A_20 to %scan3A_22 step %scan3A_23 iter_args(%scan3A_43 = %scan3A_19) -> (i32)  : i32 {
        %mul3A_44 = arith.constant 16 : i32
        %mul3A_45 = arith.muli %scan3A_42, %mul3A_44 : i32
        %get3A = arith.index_cast %mul3A_45 : i32 to index
        %get3A_46 = tpu.vector_load %arg6[%get3A] {strides = array<i32>} : memref<12544xi32, #tpu.memory_space<vmem>>, vector<16xi32>,
        %broadcast_in_dim3A_47 = arith.constant true
        %broadcast_in_dim3A_48 = vector.broadcast %broadcast_in_dim3A_47 : i1 to vector<16xi1>
        %masked_cumsum3A = tpu.scan <sum>, %get3A_46 masked %broadcast_in_dim3A_48 : vector<16xi32>, vector<16xi1> -> vector<16xi32>
        %sub3A = arith.subi %masked_cumsum3A, %get3A_46 : vector<16xi32>
        %add3A_49 = vector.broadcast %scan3A_43 : i32 to vector<16xi32>
        %add3A_50 = arith.addi %sub3A, %add3A_49 : vector<16xi32>
        %mul3A_51 = arith.constant 16 : i32
        %mul3A_52 = arith.muli %scan3A_42, %mul3A_51 : i32
        %swap3A = arith.index_cast %mul3A_52 : i32 to index
        %swap3A_53 = tpu.vector_load %arg6[%swap3A] {strides = array<i32>} : memref<12544xi32, #tpu.memory_space<vmem>>, vector<16xi32>,
        tpu.vector_store %arg6[%swap3A], %add3A_50 {strides = array<i32>} : memref<12544xi32, #tpu.memory_space<vmem>>, vector<16xi32>,
        %reduce_sum3A = arith.constant true
        %reduce_sum3A_54 = vector.broadcast %reduce_sum3A : i1 to vector<16xi1>
        %reduce_sum3A_55 = tpu.scan <sum>, %get3A_46 masked %reduce_sum3A_54 : vector<16xi32>, vector<16xi1> -> vector<16xi32>
        %reduce_sum3A_56 = vector.extract %reduce_sum3A_55[15] : i32 from vector<16xi32>
        %add3A_57 = arith.addi %scan3A_43, %reduce_sum3A_56 : i32
        scf.yield %add3A_57 : i32
      }
      %scan3A_25 = arith.constant 784 : i32
      %scan3A_26 = arith.constant 0 : i32
      %scan3A_27 = arith.constant 0 : i32
      %scan3A_28 = arith.constant 49 : i32
      %scan3A_29 = arith.addi %scan3A_27, %scan3A_28 : i32
      %scan3A_30 = arith.constant 1 : i32
      scf.for %scan3A_42 = %scan3A_27 to %scan3A_29 step %scan3A_30  : i32 {
        %mul3A_43 = arith.constant 16 : i32
        %mul3A_44 = arith.muli %scan3A_42, %mul3A_43 : i32
        %add3A_45 = vector.broadcast %mul3A_44 : i32 to vector<16xi32>
        %add3A_46 = arith.addi %add3A_45, %iota3A : vector<16xi32>
        %mul3A_47 = arith.constant 16 : i32
        %mul3A_48 = vector.broadcast %mul3A_47 : i32 to vector<16xi32>
        %mul3A_49 = arith.muli %add3A_46, %mul3A_48 : vector<16xi32>
        %gather3A = tpu.vector_load_idx %arg6[%mul3A_49] : memref<12544xi32, #tpu.memory_space<vmem>>[vector<16xi32>], vector<16xi32>,
        %mul3A_50 = arith.constant 16 : i32
        %mul3A_51 = arith.muli %scan3A_42, %mul3A_50 : i32
        %swap3A = arith.index_cast %mul3A_51 : i32 to index
        %swap3A_52 = tpu.vector_load %arg8[%swap3A] {strides = array<i32>} : memref<784xi32, #tpu.memory_space<vmem>>, vector<16xi32>,
        tpu.vector_store %arg8[%swap3A], %gather3A {strides = array<i32>} : memref<784xi32, #tpu.memory_space<vmem>>, vector<16xi32>,
      }
      %scan3A_31 = arith.constant 49 : i32
      %scan3A_32 = arith.constant 0 : i32
      %scan3A_33 = arith.constant 0 : i32
      %scan3A_34 = arith.constant 256 : i32
      %scan3A_35 = arith.addi %scan3A_33, %scan3A_34 : i32
      %scan3A_36 = arith.constant 1 : i32
      scf.for %scan3A_42 = %scan3A_33 to %scan3A_35 step %scan3A_36  : i32 {
        %mul3A_43 = arith.constant 16 : i32
        %mul3A_44 = arith.muli %scan3A_42, %mul3A_43 : i32
        %get3A = arith.index_cast %mul3A_44 : i32 to index
        %get3A_45 = tpu.vector_load %arg5[%get3A] {strides = array<i32>} : memref<4096xi32, #tpu.memory_space<vmem>>, vector<16xi32>,
        %shift_right_arithmetic3A = arith.constant 7 : i32
        %shift_right_arithmetic3A_46 = vector.broadcast %shift_right_arithmetic3A : i32 to vector<16xi32>
        %shift_right_arithmetic3A_47 = arith.shrsi %get3A_45, %shift_right_arithmetic3A_46 : vector<16xi32>
        %mul3A_48 = arith.constant 16 : i32
        %mul3A_49 = vector.broadcast %mul3A_48 : i32 to vector<16xi32>
        %mul3A_50 = arith.muli %shift_right_arithmetic3A_47, %mul3A_49 : vector<16xi32>
        %add3A_51 = arith.addi %mul3A_50, %iota3A : vector<16xi32>
        %gather3A = tpu.vector_load_idx %arg6[%add3A_51] : memref<12544xi32, #tpu.memory_space<vmem>>[vector<16xi32>], vector<16xi32>,
        %add3A_52 = arith.constant 1 : i32
        %add3A_53 = vector.broadcast %add3A_52 : i32 to vector<16xi32>
        %add3A_54 = arith.addi %gather3A, %add3A_53 : vector<16xi32>
        tpu.vector_store_idx %arg6[%add3A_51], %add3A_54 : memref<12544xi32, #tpu.memory_space<vmem>>[vector<16xi32>], vector<16xi32>,
        %shift_left3A = arith.constant 12 : i32
        %shift_left3A_55 = vector.broadcast %shift_left3A : i32 to vector<16xi32>
        %shift_left3A_56 = arith.shli %get3A_45, %shift_left3A_55 : vector<16xi32>
        %mul3A_57 = arith.constant 16 : i32
        %mul3A_58 = arith.muli %scan3A_42, %mul3A_57 : i32
        %add3A_59 = vector.broadcast %mul3A_58 : i32 to vector<16xi32>
        %add3A_60 = arith.addi %add3A_59, %iota3A : vector<16xi32>
        %add3A_61 = arith.addi %shift_left3A_56, %add3A_60 : vector<16xi32>
        tpu.vector_store_idx %arg7[%gather3A], %add3A_61 : memref<4096xi32, #tpu.memory_space<vmem>>[vector<16xi32>], vector<16xi32>,
      }
      %scan3A_37 = arith.constant 256 : i32
      %mul3A_38 = arith.constant 4096 : i32
      %mul3A_39 = arith.muli %add3A, %mul3A_38 : i32
      "tpu.region"() ({
        %run_scoped3A = tpu.sem_alloc : memref<!tpu.dma_semaphore, #tpu.memory_space<semaphore_mem>>
        %dma_start3A = tpu.memref_slice %arg3[%mul3A_39] : memref<106496xi32, #tpu.memory_space<hbm>> -> memref<4096xi32, #tpu.memory_space<hbm>>
        %dma_start3A_42 = tpu.memref_slice %arg3[%mul3A_39] : memref<106496xi32, #tpu.memory_space<hbm>> -> memref<4096xi32, #tpu.memory_space<hbm>>
        tpu.enqueue_dma source(%arg7 : memref<4096xi32, #tpu.memory_space<vmem>>) target(%dma_start3A_42 : memref<4096xi32, #tpu.memory_space<hbm>>) target_semaphore(%run_scoped3A : memref<!tpu.dma_semaphore, #tpu.memory_space<semaphore_mem>>)
        %dma_wait3A = tpu.memref_slice %arg3[%mul3A_39] : memref<106496xi32, #tpu.memory_space<hbm>> -> memref<4096xi32, #tpu.memory_space<hbm>>
        %dma_wait3A_43 = tpu.memref_slice %arg3[%mul3A_39] : memref<106496xi32, #tpu.memory_space<hbm>> -> memref<4096xi32, #tpu.memory_space<hbm>>
        tpu.wait_dma2 semaphore(%run_scoped3A : memref<!tpu.dma_semaphore, #tpu.memory_space<semaphore_mem>>) src(%arg7 : memref<4096xi32, #tpu.memory_space<vmem>>) dst(%dma_wait3A_43 : memref<4096xi32, #tpu.memory_space<hbm>>)
        tpu.yield
      }) : () -> ()
      %mul3A_40 = arith.constant 784 : i32
      %mul3A_41 = arith.muli %add3A, %mul3A_40 : i32
      "tpu.region"() ({
        %run_scoped3A = tpu.sem_alloc : memref<!tpu.dma_semaphore, #tpu.memory_space<semaphore_mem>>
        %dma_start3A = tpu.memref_slice %arg4[%mul3A_41] : memref<20384xi32, #tpu.memory_space<hbm>> -> memref<784xi32, #tpu.memory_space<hbm>>
        %dma_start3A_42 = tpu.memref_slice %arg4[%mul3A_41] : memref<20384xi32, #tpu.memory_space<hbm>> -> memref<784xi32, #tpu.memory_space<hbm>>
        tpu.enqueue_dma source(%arg8 : memref<784xi32, #tpu.memory_space<vmem>>) target(%dma_start3A_42 : memref<784xi32, #tpu.memory_space<hbm>>) target_semaphore(%run_scoped3A : memref<!tpu.dma_semaphore, #tpu.memory_space<semaphore_mem>>)
        %dma_wait3A = tpu.memref_slice %arg4[%mul3A_41] : memref<20384xi32, #tpu.memory_space<hbm>> -> memref<784xi32, #tpu.memory_space<hbm>>
        %dma_wait3A_43 = tpu.memref_slice %arg4[%mul3A_41] : memref<20384xi32, #tpu.memory_space<hbm>> -> memref<784xi32, #tpu.memory_space<hbm>>
        tpu.wait_dma2 semaphore(%run_scoped3A : memref<!tpu.dma_semaphore, #tpu.memory_space<semaphore_mem>>) src(%arg8 : memref<784xi32, #tpu.memory_space<vmem>>) dst(%dma_wait3A_43 : memref<784xi32, #tpu.memory_space<hbm>>)
        tpu.yield
      }) : () -> ()
    } else {
    }
    return
  }
}

#map = affine_map<(d0, d1) -> (0)>
#map1 = affine_map<(d0, d1) -> (0, 0)>
module attributes {stable_mosaic.version = 14 : i64} {
  func.func @_sweep_kernel(%arg0: i32, %arg1: i32, %arg2: memref<106496xi32, #tpu.memory_space<hbm>>, %arg3: memref<20384xi32, #tpu.memory_space<hbm>>, %arg4: memref<832x100000xf32, #tpu.memory_space<hbm>>, %arg5: memref<3407872xf32, #tpu.memory_space<hbm>>, %arg6: memref<20400xi32, #tpu.memory_space<vmem>>, %arg7: memref<2x4112xi32, #tpu.memory_space<vmem>>, %arg8: memref<4x32x640xf32, #tpu.memory_space<vmem>>, %arg9: memref<32x160xf32, #tpu.memory_space<vmem>>, %arg10: memref<64x32xf32, #tpu.memory_space<vmem>>, %arg11: memref<!tpu.dma_semaphore, #tpu.memory_space<semaphore_mem>>, %arg12: memref<!tpu.dma_semaphore, #tpu.memory_space<semaphore_mem>>, %arg13: memref<!tpu.dma_semaphore, #tpu.memory_space<semaphore_mem>>) attributes {dimension_semantics = [#tpu.dimension_semantics<core_parallel>, #tpu.dimension_semantics<subcore_parallel>], iteration_bounds = array<i64: 2, 16>, scalar_prefetch = 0 : i64, scratch_operands = 8 : i64, tpu.core_type = #tpu.core_type<sc_vector_subcore>, window_params = [{transform_indices = #map}, {transform_indices = #map}, {transform_indices = #map1}, {transform_indices = #map}]} {
    %mul3A = arith.constant 2 : i32
    %mul3A_0 = arith.muli %arg1, %mul3A : i32
    %add3A = arith.addi %mul3A_0, %arg0 : i32
    %iota3A = tpu.iota {dimensions = array<i32: 0>} : vector<16xi32>
    "tpu.region"() ({
      %run_scoped3A = tpu.sem_alloc : memref<!tpu.dma_semaphore, #tpu.memory_space<semaphore_mem>>
      %dma_start3A_118 = arith.constant 0 : i32
      %dma_start3A_119 = tpu.memref_slice %arg6[%dma_start3A_118] : memref<20400xi32, #tpu.memory_space<vmem>> -> memref<20384xi32, #tpu.memory_space<vmem>>
      %dma_start3A_120 = arith.constant 0 : i32
      %dma_start3A_121 = tpu.memref_slice %arg6[%dma_start3A_120] : memref<20400xi32, #tpu.memory_space<vmem>> -> memref<20384xi32, #tpu.memory_space<vmem>>
      tpu.enqueue_dma source(%arg3 : memref<20384xi32, #tpu.memory_space<hbm>>) target(%dma_start3A_121 : memref<20384xi32, #tpu.memory_space<vmem>>) target_semaphore(%run_scoped3A : memref<!tpu.dma_semaphore, #tpu.memory_space<semaphore_mem>>)
      %dma_wait3A_122 = arith.constant 0 : i32
      %dma_wait3A_123 = tpu.memref_slice %arg6[%dma_wait3A_122] : memref<20400xi32, #tpu.memory_space<vmem>> -> memref<20384xi32, #tpu.memory_space<vmem>>
      %dma_wait3A_124 = arith.constant 0 : i32
      %dma_wait3A_125 = tpu.memref_slice %arg6[%dma_wait3A_124] : memref<20400xi32, #tpu.memory_space<vmem>> -> memref<20384xi32, #tpu.memory_space<vmem>>
      tpu.wait_dma2 semaphore(%run_scoped3A : memref<!tpu.dma_semaphore, #tpu.memory_space<semaphore_mem>>) src(%arg3 : memref<20384xi32, #tpu.memory_space<hbm>>) dst(%dma_wait3A_125 : memref<20384xi32, #tpu.memory_space<vmem>>)
      tpu.yield
    }) : () -> ()
    %dma_start3A = arith.constant 0 : i32
    %dma_start3A_1 = arith.constant 0 : i32
    %dma_start3A_2 = tpu.memref_slice %arg7[%dma_start3A, %dma_start3A_1] : memref<2x4112xi32, #tpu.memory_space<vmem>> -> memref<1x4096xi32, #tpu.memory_space<vmem>>
    %dma_start3A_3 = tpu.memref_squeeze %dma_start3A_2 : memref<1x4096xi32, #tpu.memory_space<vmem>> -> memref<4096xi32, #tpu.memory_space<vmem>>
    %dma_start3A_4 = arith.constant 0 : i32
    %dma_start3A_5 = tpu.memref_slice %arg2[%dma_start3A_4] : memref<106496xi32, #tpu.memory_space<hbm>> -> memref<4096xi32, #tpu.memory_space<hbm>>
    %dma_start3A_6 = arith.constant 0 : i32
    %dma_start3A_7 = tpu.memref_slice %arg7[%dma_start3A, %dma_start3A_6] : memref<2x4112xi32, #tpu.memory_space<vmem>> -> memref<1x4096xi32, #tpu.memory_space<vmem>>
    %dma_start3A_8 = tpu.memref_squeeze %dma_start3A_7 : memref<1x4096xi32, #tpu.memory_space<vmem>> -> memref<4096xi32, #tpu.memory_space<vmem>>
    %dma_start3A_9 = arith.constant 0 : i32
    %dma_start3A_10 = tpu.memref_slice %arg2[%dma_start3A_9] : memref<106496xi32, #tpu.memory_space<hbm>> -> memref<4096xi32, #tpu.memory_space<hbm>>
    tpu.enqueue_dma source(%dma_start3A_10 : memref<4096xi32, #tpu.memory_space<hbm>>) target(%dma_start3A_8 : memref<4096xi32, #tpu.memory_space<vmem>>) target_semaphore(%arg13 : memref<!tpu.dma_semaphore, #tpu.memory_space<semaphore_mem>>)
    %dma_start3A_11 = arith.constant 1 : i32
    %dma_start3A_12 = arith.constant 0 : i32
    %dma_start3A_13 = tpu.memref_slice %arg7[%dma_start3A_11, %dma_start3A_12] : memref<2x4112xi32, #tpu.memory_space<vmem>> -> memref<1x4096xi32, #tpu.memory_space<vmem>>
    %dma_start3A_14 = tpu.memref_squeeze %dma_start3A_13 : memref<1x4096xi32, #tpu.memory_space<vmem>> -> memref<4096xi32, #tpu.memory_space<vmem>>
    %dma_start3A_15 = arith.constant 4096 : i32
    %dma_start3A_16 = tpu.memref_slice %arg2[%dma_start3A_15] : memref<106496xi32, #tpu.memory_space<hbm>> -> memref<4096xi32, #tpu.memory_space<hbm>>
    %dma_start3A_17 = arith.constant 0 : i32
    %dma_start3A_18 = tpu.memref_slice %arg7[%dma_start3A_11, %dma_start3A_17] : memref<2x4112xi32, #tpu.memory_space<vmem>> -> memref<1x4096xi32, #tpu.memory_space<vmem>>
    %dma_start3A_19 = tpu.memref_squeeze %dma_start3A_18 : memref<1x4096xi32, #tpu.memory_space<vmem>> -> memref<4096xi32, #tpu.memory_space<vmem>>
    %dma_start3A_20 = arith.constant 4096 : i32
    %dma_start3A_21 = tpu.memref_slice %arg2[%dma_start3A_20] : memref<106496xi32, #tpu.memory_space<hbm>> -> memref<4096xi32, #tpu.memory_space<hbm>>
    tpu.enqueue_dma source(%dma_start3A_21 : memref<4096xi32, #tpu.memory_space<hbm>>) target(%dma_start3A_19 : memref<4096xi32, #tpu.memory_space<vmem>>) target_semaphore(%arg13 : memref<!tpu.dma_semaphore, #tpu.memory_space<semaphore_mem>>)
    %dma_wait3A = arith.constant 0 : i32
    %dma_wait3A_22 = arith.constant 0 : i32
    %dma_wait3A_23 = tpu.memref_slice %arg7[%dma_wait3A, %dma_wait3A_22] : memref<2x4112xi32, #tpu.memory_space<vmem>> -> memref<1x4096xi32, #tpu.memory_space<vmem>>
    %dma_wait3A_24 = tpu.memref_squeeze %dma_wait3A_23 : memref<1x4096xi32, #tpu.memory_space<vmem>> -> memref<4096xi32, #tpu.memory_space<vmem>>
    %dma_wait3A_25 = arith.constant 0 : i32
    %dma_wait3A_26 = tpu.memref_slice %arg2[%dma_wait3A_25] : memref<106496xi32, #tpu.memory_space<hbm>> -> memref<4096xi32, #tpu.memory_space<hbm>>
    %dma_wait3A_27 = arith.constant 0 : i32
    %dma_wait3A_28 = tpu.memref_slice %arg7[%dma_wait3A, %dma_wait3A_27] : memref<2x4112xi32, #tpu.memory_space<vmem>> -> memref<1x4096xi32, #tpu.memory_space<vmem>>
    %dma_wait3A_29 = tpu.memref_squeeze %dma_wait3A_28 : memref<1x4096xi32, #tpu.memory_space<vmem>> -> memref<4096xi32, #tpu.memory_space<vmem>>
    %dma_wait3A_30 = arith.constant 0 : i32
    %dma_wait3A_31 = tpu.memref_slice %arg2[%dma_wait3A_30] : memref<106496xi32, #tpu.memory_space<hbm>> -> memref<4096xi32, #tpu.memory_space<hbm>>
    tpu.wait_dma2 semaphore(%arg13 : memref<!tpu.dma_semaphore, #tpu.memory_space<semaphore_mem>>) src(%dma_wait3A_31 : memref<4096xi32, #tpu.memory_space<hbm>>) dst(%dma_wait3A_29 : memref<4096xi32, #tpu.memory_space<vmem>>)
    %mul3A_32 = arith.constant 5 : i32
    %mul3A_33 = arith.muli %add3A, %mul3A_32 : i32
    %add3A_34 = arith.constant 0 : i32
    %add3A_35 = arith.addi %mul3A_33, %add3A_34 : i32
    %lt3A = arith.constant 156 : i32
    %lt3A_36 = arith.cmpi slt, %add3A_35, %lt3A : i32
    %and3A = arith.constant true
    %and3A_37 = arith.andi %and3A, %lt3A_36 : i1
    %convert_element_type3A = arith.extui %and3A_37 : i1 to i32
    %cond3A = arith.constant 0 : i32
    %cond3A_38 = arith.cmpi ne, %convert_element_type3A, %cond3A : i32
    scf.if %cond3A_38 {
      %mul3A_118 = arith.constant 640 : i32
      %mul3A_119 = arith.muli %add3A_35, %mul3A_118 : i32
      %dma_start3A_120 = arith.constant 0 : i32
      %dma_start3A_121 = arith.constant 0 : i32
      %dma_start3A_122 = arith.constant 0 : i32
      %dma_start3A_123 = tpu.memref_slice %arg8[%dma_start3A_120, %dma_start3A_121, %dma_start3A_122] : memref<4x32x640xf32, #tpu.memory_space<vmem>> -> memref<1x32x640xf32, #tpu.memory_space<vmem>>
      %dma_start3A_124 = tpu.memref_squeeze %dma_start3A_123 : memref<1x32x640xf32, #tpu.memory_space<vmem>> -> memref<32x640xf32, #tpu.memory_space<vmem>>
      %dma_start3A_125 = arith.constant 0 : i32
      %dma_start3A_126 = tpu.memref_slice %arg4[%dma_start3A_125, %mul3A_119] : memref<832x100000xf32, #tpu.memory_space<hbm>> -> memref<32x640xf32, #tpu.memory_space<hbm>>
      %dma_start3A_127 = arith.constant 0 : i32
      %dma_start3A_128 = arith.constant 0 : i32
      %dma_start3A_129 = tpu.memref_slice %arg8[%dma_start3A_120, %dma_start3A_127, %dma_start3A_128] : memref<4x32x640xf32, #tpu.memory_space<vmem>> -> memref<1x32x640xf32, #tpu.memory_space<vmem>>
      %dma_start3A_130 = tpu.memref_squeeze %dma_start3A_129 : memref<1x32x640xf32, #tpu.memory_space<vmem>> -> memref<32x640xf32, #tpu.memory_space<vmem>>
      %dma_start3A_131 = arith.constant 0 : i32
      %dma_start3A_132 = tpu.memref_slice %arg4[%dma_start3A_131, %mul3A_119] : memref<832x100000xf32, #tpu.memory_space<hbm>> -> memref<32x640xf32, #tpu.memory_space<hbm>>
      tpu.enqueue_dma source(%dma_start3A_132 : memref<32x640xf32, #tpu.memory_space<hbm>>) target(%dma_start3A_130 : memref<32x640xf32, #tpu.memory_space<vmem>>) target_semaphore(%arg11 : memref<!tpu.dma_semaphore, #tpu.memory_space<semaphore_mem>>)
    } else {
    }
    %mul3A_39 = arith.constant 5 : i32
    %mul3A_40 = arith.muli %add3A, %mul3A_39 : i32
    %add3A_41 = arith.constant 1 : i32
    %add3A_42 = arith.addi %mul3A_40, %add3A_41 : i32
    %lt3A_43 = arith.constant 156 : i32
    %lt3A_44 = arith.cmpi slt, %add3A_42, %lt3A_43 : i32
    %and3A_45 = arith.constant true
    %and3A_46 = arith.andi %and3A_45, %lt3A_44 : i1
    %convert_element_type3A_47 = arith.extui %and3A_46 : i1 to i32
    %cond3A_48 = arith.constant 0 : i32
    %cond3A_49 = arith.cmpi ne, %convert_element_type3A_47, %cond3A_48 : i32
    scf.if %cond3A_49 {
      %mul3A_118 = arith.constant 640 : i32
      %mul3A_119 = arith.muli %add3A_42, %mul3A_118 : i32
      %dma_start3A_120 = arith.constant 1 : i32
      %dma_start3A_121 = arith.constant 0 : i32
      %dma_start3A_122 = arith.constant 0 : i32
      %dma_start3A_123 = tpu.memref_slice %arg8[%dma_start3A_120, %dma_start3A_121, %dma_start3A_122] : memref<4x32x640xf32, #tpu.memory_space<vmem>> -> memref<1x32x640xf32, #tpu.memory_space<vmem>>
      %dma_start3A_124 = tpu.memref_squeeze %dma_start3A_123 : memref<1x32x640xf32, #tpu.memory_space<vmem>> -> memref<32x640xf32, #tpu.memory_space<vmem>>
      %dma_start3A_125 = arith.constant 0 : i32
      %dma_start3A_126 = tpu.memref_slice %arg4[%dma_start3A_125, %mul3A_119] : memref<832x100000xf32, #tpu.memory_space<hbm>> -> memref<32x640xf32, #tpu.memory_space<hbm>>
      %dma_start3A_127 = arith.constant 0 : i32
      %dma_start3A_128 = arith.constant 0 : i32
      %dma_start3A_129 = tpu.memref_slice %arg8[%dma_start3A_120, %dma_start3A_127, %dma_start3A_128] : memref<4x32x640xf32, #tpu.memory_space<vmem>> -> memref<1x32x640xf32, #tpu.memory_space<vmem>>
      %dma_start3A_130 = tpu.memref_squeeze %dma_start3A_129 : memref<1x32x640xf32, #tpu.memory_space<vmem>> -> memref<32x640xf32, #tpu.memory_space<vmem>>
      %dma_start3A_131 = arith.constant 0 : i32
      %dma_start3A_132 = tpu.memref_slice %arg4[%dma_start3A_131, %mul3A_119] : memref<832x100000xf32, #tpu.memory_space<hbm>> -> memref<32x640xf32, #tpu.memory_space<hbm>>
      tpu.enqueue_dma source(%dma_start3A_132 : memref<32x640xf32, #tpu.memory_space<hbm>>) target(%dma_start3A_130 : memref<32x640xf32, #tpu.memory_space<vmem>>) target_semaphore(%arg11 : memref<!tpu.dma_semaphore, #tpu.memory_space<semaphore_mem>>)
    } else {
    }
    %mul3A_50 = arith.constant 5 : i32
    %mul3A_51 = arith.muli %add3A, %mul3A_50 : i32
    %add3A_52 = arith.constant 2 : i32
    %add3A_53 = arith.addi %mul3A_51, %add3A_52 : i32
    %lt3A_54 = arith.constant 156 : i32
    %lt3A_55 = arith.cmpi slt, %add3A_53, %lt3A_54 : i32
    %and3A_56 = arith.constant true
    %and3A_57 = arith.andi %and3A_56, %lt3A_55 : i1
    %convert_element_type3A_58 = arith.extui %and3A_57 : i1 to i32
    %cond3A_59 = arith.constant 0 : i32
    %cond3A_60 = arith.cmpi ne, %convert_element_type3A_58, %cond3A_59 : i32
    scf.if %cond3A_60 {
      %mul3A_118 = arith.constant 640 : i32
      %mul3A_119 = arith.muli %add3A_53, %mul3A_118 : i32
      %dma_start3A_120 = arith.constant 2 : i32
      %dma_start3A_121 = arith.constant 0 : i32
      %dma_start3A_122 = arith.constant 0 : i32
      %dma_start3A_123 = tpu.memref_slice %arg8[%dma_start3A_120, %dma_start3A_121, %dma_start3A_122] : memref<4x32x640xf32, #tpu.memory_space<vmem>> -> memref<1x32x640xf32, #tpu.memory_space<vmem>>
      %dma_start3A_124 = tpu.memref_squeeze %dma_start3A_123 : memref<1x32x640xf32, #tpu.memory_space<vmem>> -> memref<32x640xf32, #tpu.memory_space<vmem>>
      %dma_start3A_125 = arith.constant 0 : i32
      %dma_start3A_126 = tpu.memref_slice %arg4[%dma_start3A_125, %mul3A_119] : memref<832x100000xf32, #tpu.memory_space<hbm>> -> memref<32x640xf32, #tpu.memory_space<hbm>>
      %dma_start3A_127 = arith.constant 0 : i32
      %dma_start3A_128 = arith.constant 0 : i32
      %dma_start3A_129 = tpu.memref_slice %arg8[%dma_start3A_120, %dma_start3A_127, %dma_start3A_128] : memref<4x32x640xf32, #tpu.memory_space<vmem>> -> memref<1x32x640xf32, #tpu.memory_space<vmem>>
      %dma_start3A_130 = tpu.memref_squeeze %dma_start3A_129 : memref<1x32x640xf32, #tpu.memory_space<vmem>> -> memref<32x640xf32, #tpu.memory_space<vmem>>
      %dma_start3A_131 = arith.constant 0 : i32
      %dma_start3A_132 = tpu.memref_slice %arg4[%dma_start3A_131, %mul3A_119] : memref<832x100000xf32, #tpu.memory_space<hbm>> -> memref<32x640xf32, #tpu.memory_space<hbm>>
      tpu.enqueue_dma source(%dma_start3A_132 : memref<32x640xf32, #tpu.memory_space<hbm>>) target(%dma_start3A_130 : memref<32x640xf32, #tpu.memory_space<vmem>>) target_semaphore(%arg11 : memref<!tpu.dma_semaphore, #tpu.memory_space<semaphore_mem>>)
    } else {
    }
    %mul3A_61 = arith.constant 5 : i32
    %mul3A_62 = arith.muli %add3A, %mul3A_61 : i32
    %add3A_63 = arith.constant 3 : i32
    %add3A_64 = arith.addi %mul3A_62, %add3A_63 : i32
    %lt3A_65 = arith.constant 156 : i32
    %lt3A_66 = arith.cmpi slt, %add3A_64, %lt3A_65 : i32
    %and3A_67 = arith.constant true
    %and3A_68 = arith.andi %and3A_67, %lt3A_66 : i1
    %convert_element_type3A_69 = arith.extui %and3A_68 : i1 to i32
    %cond3A_70 = arith.constant 0 : i32
    %cond3A_71 = arith.cmpi ne, %convert_element_type3A_69, %cond3A_70 : i32
    scf.if %cond3A_71 {
      %mul3A_118 = arith.constant 640 : i32
      %mul3A_119 = arith.muli %add3A_64, %mul3A_118 : i32
      %dma_start3A_120 = arith.constant 3 : i32
      %dma_start3A_121 = arith.constant 0 : i32
      %dma_start3A_122 = arith.constant 0 : i32
      %dma_start3A_123 = tpu.memref_slice %arg8[%dma_start3A_120, %dma_start3A_121, %dma_start3A_122] : memref<4x32x640xf32, #tpu.memory_space<vmem>> -> memref<1x32x640xf32, #tpu.memory_space<vmem>>
      %dma_start3A_124 = tpu.memref_squeeze %dma_start3A_123 : memref<1x32x640xf32, #tpu.memory_space<vmem>> -> memref<32x640xf32, #tpu.memory_space<vmem>>
      %dma_start3A_125 = arith.constant 0 : i32
      %dma_start3A_126 = tpu.memref_slice %arg4[%dma_start3A_125, %mul3A_119] : memref<832x100000xf32, #tpu.memory_space<hbm>> -> memref<32x640xf32, #tpu.memory_space<hbm>>
      %dma_start3A_127 = arith.constant 0 : i32
      %dma_start3A_128 = arith.constant 0 : i32
      %dma_start3A_129 = tpu.memref_slice %arg8[%dma_start3A_120, %dma_start3A_127, %dma_start3A_128] : memref<4x32x640xf32, #tpu.memory_space<vmem>> -> memref<1x32x640xf32, #tpu.memory_space<vmem>>
      %dma_start3A_130 = tpu.memref_squeeze %dma_start3A_129 : memref<1x32x640xf32, #tpu.memory_space<vmem>> -> memref<32x640xf32, #tpu.memory_space<vmem>>
      %dma_start3A_131 = arith.constant 0 : i32
      %dma_start3A_132 = tpu.memref_slice %arg4[%dma_start3A_131, %mul3A_119] : memref<832x100000xf32, #tpu.memory_space<hbm>> -> memref<32x640xf32, #tpu.memory_space<hbm>>
      tpu.enqueue_dma source(%dma_start3A_132 : memref<32x640xf32, #tpu.memory_space<hbm>>) target(%dma_start3A_130 : memref<32x640xf32, #tpu.memory_space<vmem>>) target_semaphore(%arg11 : memref<!tpu.dma_semaphore, #tpu.memory_space<semaphore_mem>>)
    } else {
    }
    %scan3A = arith.constant 0 : i32
    %scan3A_72 = arith.constant 0 : i32
    %scan3A_73 = arith.constant 130 : i32
    %scan3A_74 = arith.addi %scan3A_72, %scan3A_73 : i32
    %scan3A_75 = arith.constant 1 : i32
    %scan3A_76 = scf.for %scan3A_118 = %scan3A_72 to %scan3A_74 step %scan3A_75 iter_args(%scan3A_119 = %scan3A) -> (i32)  : i32 {
      %jit3A_120 = arith.constant 5 : i32
      %div3A = arith.divsi %scan3A_118, %jit3A_120 : i32
      %sign3A = arith.constant 0 : i32
      %sign3A_121 = arith.cmpi sgt, %scan3A_118, %sign3A : i32
      %sign3A_122 = arith.extui %sign3A_121 : i1 to i32
      %sign3A_123 = arith.constant 0 : i32
      %sign3A_124 = arith.cmpi slt, %scan3A_118, %sign3A_123 : i32
      %sign3A_125 = arith.extui %sign3A_124 : i1 to i32
      %sign3A_126 = arith.subi %sign3A_122, %sign3A_125 : i32
      %sign3A_127 = arith.constant 0 : i32
      %sign3A_128 = arith.cmpi sgt, %jit3A_120, %sign3A_127 : i32
      %sign3A_129 = arith.extui %sign3A_128 : i1 to i32
      %sign3A_130 = arith.constant 0 : i32
      %sign3A_131 = arith.cmpi slt, %jit3A_120, %sign3A_130 : i32
      %sign3A_132 = arith.extui %sign3A_131 : i1 to i32
      %sign3A_133 = arith.subi %sign3A_129, %sign3A_132 : i32
      %ne3A = arith.cmpi ne, %sign3A_126, %sign3A_133 : i32
      %rem3A = arith.remsi %scan3A_118, %jit3A_120 : i32
      %ne3A_134 = arith.constant 0 : i32
      %ne3A_135 = arith.cmpi ne, %rem3A, %ne3A_134 : i32
      %and3A_136 = arith.andi %ne3A, %ne3A_135 : i1
      %sub3A = arith.constant 1 : i32
      %sub3A_137 = arith.subi %div3A, %sub3A : i32
      %select_n3A_138 = arith.select %and3A_136, %sub3A_137, %div3A : i32
      %jit3A_139 = arith.constant 5 : i32
      %eq3A = arith.constant 0 : i32
      %eq3A_140 = arith.cmpi eq, %jit3A_139, %eq3A : i32
      %jit3A_141 = arith.constant 1 : i32
      %select_n3A_142 = arith.select %eq3A_140, %jit3A_141, %jit3A_139 : i32
      %rem3A_143 = arith.remsi %scan3A_118, %select_n3A_142 : i32
      %ne3A_144 = arith.constant 0 : i32
      %ne3A_145 = arith.cmpi ne, %rem3A_143, %ne3A_144 : i32
      %lt3A_146 = arith.constant 0 : i32
      %lt3A_147 = arith.cmpi slt, %rem3A_143, %lt3A_146 : i32
      %lt3A_148 = arith.constant 0 : i32
      %lt3A_149 = arith.cmpi slt, %select_n3A_142, %lt3A_148 : i32
      %ne3A_150 = arith.xori %lt3A_147, %lt3A_149 : i1
      %and3A_151 = arith.andi %ne3A_150, %ne3A_145 : i1
      %add3A_152 = arith.addi %rem3A_143, %select_n3A_142 : i32
      %select_n3A_153 = arith.select %and3A_151, %add3A_152, %rem3A_143 : i32
      %mul3A_154 = arith.constant 5 : i32
      %mul3A_155 = arith.muli %add3A, %mul3A_154 : i32
      %add3A_156 = arith.addi %mul3A_155, %select_n3A_153 : i32
      %lt3A_157 = arith.constant 156 : i32
      %lt3A_158 = arith.cmpi slt, %add3A_156, %lt3A_157 : i32
      %jit3A_159 = arith.constant 5 : i32
      %eq3A_160 = arith.constant 0 : i32
      %eq3A_161 = arith.cmpi eq, %jit3A_159, %eq3A_160 : i32
      %jit3A_162 = arith.constant 1 : i32
      %select_n3A_163 = arith.select %eq3A_161, %jit3A_162, %jit3A_159 : i32
      %rem3A_164 = arith.remsi %scan3A_118, %select_n3A_163 : i32
      %ne3A_165 = arith.constant 0 : i32
      %ne3A_166 = arith.cmpi ne, %rem3A_164, %ne3A_165 : i32
      %lt3A_167 = arith.constant 0 : i32
      %lt3A_168 = arith.cmpi slt, %rem3A_164, %lt3A_167 : i32
      %lt3A_169 = arith.constant 0 : i32
      %lt3A_170 = arith.cmpi slt, %select_n3A_163, %lt3A_169 : i32
      %ne3A_171 = arith.xori %lt3A_168, %lt3A_170 : i1
      %and3A_172 = arith.andi %ne3A_171, %ne3A_166 : i1
      %add3A_173 = arith.addi %rem3A_164, %select_n3A_163 : i32
      %select_n3A_174 = arith.select %and3A_172, %add3A_173, %rem3A_164 : i32
      %eq3A_175 = arith.constant 0 : i32
      %eq3A_176 = arith.cmpi eq, %select_n3A_174, %eq3A_175 : i32
      %gt3A = arith.constant 0 : i32
      %gt3A_177 = arith.cmpi sgt, %scan3A_118, %gt3A : i32
      %and3A_178 = arith.andi %eq3A_176, %gt3A_177 : i1
      %convert_element_type3A_179 = arith.extui %and3A_178 : i1 to i32
      %cond3A_180 = arith.constant 0 : i32
      %cond3A_181 = arith.cmpi ne, %convert_element_type3A_179, %cond3A_180 : i32
      scf.if %cond3A_181 {
        %dma_wait3A_270 = arith.constant 0 : i32
        %dma_wait3A_271 = arith.constant 0 : i32
        %dma_wait3A_272 = tpu.memref_slice %arg7[%dma_wait3A_270, %dma_wait3A_271] : memref<2x4112xi32, #tpu.memory_space<vmem>> -> memref<1x4096xi32, #tpu.memory_space<vmem>>
        %dma_wait3A_273 = tpu.memref_squeeze %dma_wait3A_272 : memref<1x4096xi32, #tpu.memory_space<vmem>> -> memref<4096xi32, #tpu.memory_space<vmem>>
        %dma_wait3A_274 = arith.constant 0 : i32
        %dma_wait3A_275 = tpu.memref_slice %arg2[%dma_wait3A_274] : memref<106496xi32, #tpu.memory_space<hbm>> -> memref<4096xi32, #tpu.memory_space<hbm>>
        %dma_wait3A_276 = arith.constant 0 : i32
        %dma_wait3A_277 = tpu.memref_slice %arg7[%dma_wait3A_270, %dma_wait3A_276] : memref<2x4112xi32, #tpu.memory_space<vmem>> -> memref<1x4096xi32, #tpu.memory_space<vmem>>
        %dma_wait3A_278 = tpu.memref_squeeze %dma_wait3A_277 : memref<1x4096xi32, #tpu.memory_space<vmem>> -> memref<4096xi32, #tpu.memory_space<vmem>>
        %dma_wait3A_279 = arith.constant 0 : i32
        %dma_wait3A_280 = tpu.memref_slice %arg2[%dma_wait3A_279] : memref<106496xi32, #tpu.memory_space<hbm>> -> memref<4096xi32, #tpu.memory_space<hbm>>
        tpu.wait_dma2 semaphore(%arg13 : memref<!tpu.dma_semaphore, #tpu.memory_space<semaphore_mem>>) src(%dma_wait3A_280 : memref<4096xi32, #tpu.memory_space<hbm>>) dst(%dma_wait3A_278 : memref<4096xi32, #tpu.memory_space<vmem>>)
        %add3A_281 = arith.constant 1 : i32
        %add3A_282 = arith.addi %select_n3A_138, %add3A_281 : i32
        %lt3A_283 = arith.constant 26 : i32
        %lt3A_284 = arith.cmpi slt, %add3A_282, %lt3A_283 : i32
        %convert_element_type3A_285 = arith.extui %lt3A_284 : i1 to i32
        %cond3A_286 = arith.constant 0 : i32
        %cond3A_287 = arith.cmpi ne, %convert_element_type3A_285, %cond3A_286 : i32
        scf.if %cond3A_287 {
          %mul3A_288 = arith.constant 4096 : i32
          %mul3A_289 = arith.muli %add3A_282, %mul3A_288 : i32
          %jit3A_290 = arith.constant 2 : i32
          %eq3A_291 = arith.constant 0 : i32
          %eq3A_292 = arith.cmpi eq, %jit3A_290, %eq3A_291 : i32
          %jit3A_293 = arith.constant 1 : i32
          %select_n3A_294 = arith.select %eq3A_292, %jit3A_293, %jit3A_290 : i32
          %rem3A_295 = arith.remsi %add3A_282, %select_n3A_294 : i32
          %ne3A_296 = arith.constant 0 : i32
          %ne3A_297 = arith.cmpi ne, %rem3A_295, %ne3A_296 : i32
          %lt3A_298 = arith.constant 0 : i32
          %lt3A_299 = arith.cmpi slt, %rem3A_295, %lt3A_298 : i32
          %lt3A_300 = arith.constant 0 : i32
          %lt3A_301 = arith.cmpi slt, %select_n3A_294, %lt3A_300 : i32
          %ne3A_302 = arith.xori %lt3A_299, %lt3A_301 : i1
          %and3A_303 = arith.andi %ne3A_302, %ne3A_297 : i1
          %add3A_304 = arith.addi %rem3A_295, %select_n3A_294 : i32
          %select_n3A_305 = arith.select %and3A_303, %add3A_304, %rem3A_295 : i32
          %dma_start3A_306 = arith.constant 0 : i32
          %dma_start3A_307 = tpu.memref_slice %arg7[%select_n3A_305, %dma_start3A_306] : memref<2x4112xi32, #tpu.memory_space<vmem>> -> memref<1x4096xi32, #tpu.memory_space<vmem>>
          %dma_start3A_308 = tpu.memref_squeeze %dma_start3A_307 : memref<1x4096xi32, #tpu.memory_space<vmem>> -> memref<4096xi32, #tpu.memory_space<vmem>>
          %dma_start3A_309 = tpu.memref_slice %arg2[%mul3A_289] : memref<106496xi32, #tpu.memory_space<hbm>> -> memref<4096xi32, #tpu.memory_space<hbm>>
          %dma_start3A_310 = arith.constant 0 : i32
          %dma_start3A_311 = tpu.memref_slice %arg7[%select_n3A_305, %dma_start3A_310] : memref<2x4112xi32, #tpu.memory_space<vmem>> -> memref<1x4096xi32, #tpu.memory_space<vmem>>
          %dma_start3A_312 = tpu.memref_squeeze %dma_start3A_311 : memref<1x4096xi32, #tpu.memory_space<vmem>> -> memref<4096xi32, #tpu.memory_space<vmem>>
          %dma_start3A_313 = tpu.memref_slice %arg2[%mul3A_289] : memref<106496xi32, #tpu.memory_space<hbm>> -> memref<4096xi32, #tpu.memory_space<hbm>>
          tpu.enqueue_dma source(%dma_start3A_313 : memref<4096xi32, #tpu.memory_space<hbm>>) target(%dma_start3A_312 : memref<4096xi32, #tpu.memory_space<vmem>>) target_semaphore(%arg13 : memref<!tpu.dma_semaphore, #tpu.memory_space<semaphore_mem>>)
        } else {
        }
      } else {
      }
      %convert_element_type3A_182 = arith.extui %lt3A_158 : i1 to i32
      %cond3A_183 = arith.constant 0 : i32
      %cond3A_184 = arith.cmpi ne, %convert_element_type3A_182, %cond3A_183 : i32
      scf.if %cond3A_184 {
        %jit3A_270 = arith.constant 4 : i32
        %eq3A_271 = arith.constant 0 : i32
        %eq3A_272 = arith.cmpi eq, %jit3A_270, %eq3A_271 : i32
        %jit3A_273 = arith.constant 1 : i32
        %select_n3A_274 = arith.select %eq3A_272, %jit3A_273, %jit3A_270 : i32
        %rem3A_275 = arith.remsi %scan3A_118, %select_n3A_274 : i32
        %ne3A_276 = arith.constant 0 : i32
        %ne3A_277 = arith.cmpi ne, %rem3A_275, %ne3A_276 : i32
        %lt3A_278 = arith.constant 0 : i32
        %lt3A_279 = arith.cmpi slt, %rem3A_275, %lt3A_278 : i32
        %lt3A_280 = arith.constant 0 : i32
        %lt3A_281 = arith.cmpi slt, %select_n3A_274, %lt3A_280 : i32
        %ne3A_282 = arith.xori %lt3A_279, %lt3A_281 : i1
        %and3A_283 = arith.andi %ne3A_282, %ne3A_277 : i1
        %add3A_284 = arith.addi %rem3A_275, %select_n3A_274 : i32
        %select_n3A_285 = arith.select %and3A_283, %add3A_284, %rem3A_275 : i32
        %dma_wait3A_286 = arith.constant 0 : i32
        %dma_wait3A_287 = arith.constant 0 : i32
        %dma_wait3A_288 = tpu.memref_slice %arg8[%select_n3A_285, %dma_wait3A_286, %dma_wait3A_287] : memref<4x32x640xf32, #tpu.memory_space<vmem>> -> memref<1x32x640xf32, #tpu.memory_space<vmem>>
        %dma_wait3A_289 = tpu.memref_squeeze %dma_wait3A_288 : memref<1x32x640xf32, #tpu.memory_space<vmem>> -> memref<32x640xf32, #tpu.memory_space<vmem>>
        %dma_wait3A_290 = arith.constant 0 : i32
        %dma_wait3A_291 = arith.constant 0 : i32
        %dma_wait3A_292 = tpu.memref_slice %arg4[%dma_wait3A_290, %dma_wait3A_291] : memref<832x100000xf32, #tpu.memory_space<hbm>> -> memref<32x640xf32, #tpu.memory_space<hbm>>
        %dma_wait3A_293 = arith.constant 0 : i32
        %dma_wait3A_294 = arith.constant 0 : i32
        %dma_wait3A_295 = tpu.memref_slice %arg8[%select_n3A_285, %dma_wait3A_293, %dma_wait3A_294] : memref<4x32x640xf32, #tpu.memory_space<vmem>> -> memref<1x32x640xf32, #tpu.memory_space<vmem>>
        %dma_wait3A_296 = tpu.memref_squeeze %dma_wait3A_295 : memref<1x32x640xf32, #tpu.memory_space<vmem>> -> memref<32x640xf32, #tpu.memory_space<vmem>>
        %dma_wait3A_297 = arith.constant 0 : i32
        %dma_wait3A_298 = arith.constant 0 : i32
        %dma_wait3A_299 = tpu.memref_slice %arg4[%dma_wait3A_297, %dma_wait3A_298] : memref<832x100000xf32, #tpu.memory_space<hbm>> -> memref<32x640xf32, #tpu.memory_space<hbm>>
        tpu.wait_dma2 semaphore(%arg11 : memref<!tpu.dma_semaphore, #tpu.memory_space<semaphore_mem>>) src(%dma_wait3A_299 : memref<32x640xf32, #tpu.memory_space<hbm>>) dst(%dma_wait3A_296 : memref<32x640xf32, #tpu.memory_space<vmem>>)
      } else {
      }
      %mul3A_185 = arith.constant 5 : i32
      %mul3A_186 = arith.muli %add3A_156, %mul3A_185 : i32
      %mul3A_187 = arith.constant 784 : i32
      %mul3A_188 = arith.muli %select_n3A_138, %mul3A_187 : i32
      %add3A_189 = arith.addi %mul3A_188, %mul3A_186 : i32
      %get3A_190 = arith.index_cast %add3A_189 : i32 to index
      %get3A_191 = tpu.vector_load %arg6[%get3A_190] {strides = array<i32>} : memref<20400xi32, #tpu.memory_space<vmem>>, vector<16xi32>,
      %slice3A_192 = vector.extract_strided_slice %get3A_191 {offsets = [0], sizes = [1], strides = [1]} : vector<16xi32> to vector<1xi32>
      %squeeze3A_193 = vector.extract %slice3A_192[0] : i32 from vector<1xi32>
      %mul3A_194 = arith.constant 784 : i32
      %mul3A_195 = arith.muli %select_n3A_138, %mul3A_194 : i32
      %add3A_196 = arith.addi %mul3A_195, %mul3A_186 : i32
      %add3A_197 = arith.constant 5 : i32
      %add3A_198 = arith.addi %add3A_196, %add3A_197 : i32
      %get3A_199 = arith.index_cast %add3A_198 : i32 to index
      %get3A_200 = tpu.vector_load %arg6[%get3A_199] {strides = array<i32>} : memref<20400xi32, #tpu.memory_space<vmem>>, vector<16xi32>,
      %slice3A_201 = vector.extract_strided_slice %get3A_200 {offsets = [0], sizes = [1], strides = [1]} : vector<16xi32> to vector<1xi32>
      %squeeze3A_202 = vector.extract %slice3A_201[0] : i32 from vector<1xi32>
      %jit3A_203 = arith.constant 0 : i32
      %select_n3A_204 = arith.select %lt3A_158, %squeeze3A_193, %jit3A_203 : i32
      %jit3A_205 = arith.constant 0 : i32
      %select_n3A_206 = arith.select %lt3A_158, %squeeze3A_202, %jit3A_205 : i32
      %while3A_207 = arith.subi %select_n3A_206, %select_n3A_204 : i32
      %while3A_208 = arith.addi %select_n3A_204, %while3A_207 : i32
      %while3A_209 = arith.constant 1 : i32
      %while3A_210 = arith.divsi %while3A_207, %while3A_209 : i32
      %while3A_211 = arith.muli %while3A_210, %while3A_209 : i32
      %while3A_212 = arith.addi %select_n3A_204, %while3A_211 : i32
      %while3A_213 = arith.constant 1 : i32
      %while3A_214 = scf.for %while3A_270 = %select_n3A_204 to %while3A_212 step %while3A_213 iter_args(%while3A_271 = %scan3A_119) -> (i32)  : i32 {
        %jit3A_272 = arith.constant 2 : i32
        %eq3A_273 = arith.constant 0 : i32
        %eq3A_274 = arith.cmpi eq, %jit3A_272, %eq3A_273 : i32
        %jit3A_275 = arith.constant 1 : i32
        %select_n3A_276 = arith.select %eq3A_274, %jit3A_275, %jit3A_272 : i32
        %rem3A_277 = arith.remsi %select_n3A_138, %select_n3A_276 : i32
        %ne3A_278 = arith.constant 0 : i32
        %ne3A_279 = arith.cmpi ne, %rem3A_277, %ne3A_278 : i32
        %lt3A_280 = arith.constant 0 : i32
        %lt3A_281 = arith.cmpi slt, %rem3A_277, %lt3A_280 : i32
        %lt3A_282 = arith.constant 0 : i32
        %lt3A_283 = arith.cmpi slt, %select_n3A_276, %lt3A_282 : i32
        %ne3A_284 = arith.xori %lt3A_281, %lt3A_283 : i1
        %and3A_285 = arith.andi %ne3A_284, %ne3A_279 : i1
        %add3A_286 = arith.addi %rem3A_277, %select_n3A_276 : i32
        %select_n3A_287 = arith.select %and3A_285, %add3A_286, %rem3A_277 : i32
        %get3A_288 = arith.index_cast %select_n3A_287 : i32 to index
        %get3A_289 = arith.index_cast %while3A_270 : i32 to index
        %get3A_290 = tpu.vector_load %arg7[%get3A_288, %get3A_289] {strides = array<i32>} : memref<2x4112xi32, #tpu.memory_space<vmem>>, vector<16xi32>,
        %slice3A_291 = vector.extract_strided_slice %get3A_290 {offsets = [0], sizes = [1], strides = [1]} : vector<16xi32> to vector<1xi32>
        %squeeze3A_292 = vector.extract %slice3A_291[0] : i32 from vector<1xi32>
        %shift_right_arithmetic3A = arith.constant 12 : i32
        %shift_right_arithmetic3A_293 = arith.shrsi %squeeze3A_292, %shift_right_arithmetic3A : i32
        %and3A_294 = arith.constant 4095 : i32
        %and3A_295 = arith.andi %squeeze3A_292, %and3A_294 : i32
        %mul3A_296 = arith.constant 128 : i32
        %mul3A_297 = arith.muli %mul3A_186, %mul3A_296 : i32
        %sub3A_298 = arith.subi %shift_right_arithmetic3A_293, %mul3A_297 : i32
        %jit3A_299 = arith.constant 4 : i32
        %eq3A_300 = arith.constant 0 : i32
        %eq3A_301 = arith.cmpi eq, %jit3A_299, %eq3A_300 : i32
        %jit3A_302 = arith.constant 1 : i32
        %select_n3A_303 = arith.select %eq3A_301, %jit3A_302, %jit3A_299 : i32
        %rem3A_304 = arith.remsi %scan3A_118, %select_n3A_303 : i32
        %ne3A_305 = arith.constant 0 : i32
        %ne3A_306 = arith.cmpi ne, %rem3A_304, %ne3A_305 : i32
        %lt3A_307 = arith.constant 0 : i32
        %lt3A_308 = arith.cmpi slt, %rem3A_304, %lt3A_307 : i32
        %lt3A_309 = arith.constant 0 : i32
        %lt3A_310 = arith.cmpi slt, %select_n3A_303, %lt3A_309 : i32
        %ne3A_311 = arith.xori %lt3A_308, %lt3A_310 : i1
        %and3A_312 = arith.andi %ne3A_311, %ne3A_306 : i1
        %add3A_313 = arith.addi %rem3A_304, %select_n3A_303 : i32
        %select_n3A_314 = arith.select %and3A_312, %add3A_313, %rem3A_304 : i32
        %broadcast_in_dim3A = vector.broadcast %select_n3A_314 : i32 to vector<16xi32>
        %broadcast_in_dim3A_315 = arith.constant 0 : i32
        %broadcast_in_dim3A_316 = vector.broadcast %broadcast_in_dim3A_315 : i32 to vector<16xi32>
        %add3A_317 = vector.broadcast %sub3A_298 : i32 to vector<16xi32>
        %add3A_318 = arith.addi %broadcast_in_dim3A_316, %add3A_317 : vector<16xi32>
        %gather3A = tpu.vector_load_idx %arg8[%broadcast_in_dim3A, %iota3A, %add3A_318] : memref<4x32x640xf32, #tpu.memory_space<vmem>>[vector<16xi32>, vector<16xi32>, vector<16xi32>], vector<16xf32>,
        %jit3A_319 = arith.constant 4 : i32
        %eq3A_320 = arith.constant 0 : i32
        %eq3A_321 = arith.cmpi eq, %jit3A_319, %eq3A_320 : i32
        %jit3A_322 = arith.constant 1 : i32
        %select_n3A_323 = arith.select %eq3A_321, %jit3A_322, %jit3A_319 : i32
        %rem3A_324 = arith.remsi %scan3A_118, %select_n3A_323 : i32
        %ne3A_325 = arith.constant 0 : i32
        %ne3A_326 = arith.cmpi ne, %rem3A_324, %ne3A_325 : i32
        %lt3A_327 = arith.constant 0 : i32
        %lt3A_328 = arith.cmpi slt, %rem3A_324, %lt3A_327 : i32
        %lt3A_329 = arith.constant 0 : i32
        %lt3A_330 = arith.cmpi slt, %select_n3A_323, %lt3A_329 : i32
        %ne3A_331 = arith.xori %lt3A_328, %lt3A_330 : i1
        %and3A_332 = arith.andi %ne3A_331, %ne3A_326 : i1
        %add3A_333 = arith.addi %rem3A_324, %select_n3A_323 : i32
        %select_n3A_334 = arith.select %and3A_332, %add3A_333, %rem3A_324 : i32
        %broadcast_in_dim3A_335 = vector.broadcast %select_n3A_334 : i32 to vector<16xi32>
        %add3A_336 = arith.constant 16 : i32
        %add3A_337 = vector.broadcast %add3A_336 : i32 to vector<16xi32>
        %add3A_338 = arith.addi %iota3A, %add3A_337 : vector<16xi32>
        %broadcast_in_dim3A_339 = arith.constant 0 : i32
        %broadcast_in_dim3A_340 = vector.broadcast %broadcast_in_dim3A_339 : i32 to vector<16xi32>
        %add3A_341 = vector.broadcast %sub3A_298 : i32 to vector<16xi32>
        %add3A_342 = arith.addi %broadcast_in_dim3A_340, %add3A_341 : vector<16xi32>
        %gather3A_343 = tpu.vector_load_idx %arg8[%broadcast_in_dim3A_335, %add3A_338, %add3A_342] : memref<4x32x640xf32, #tpu.memory_space<vmem>>[vector<16xi32>, vector<16xi32>, vector<16xi32>], vector<16xf32>,
        %jit3A_344 = arith.constant 64 : i32
        %eq3A_345 = arith.constant 0 : i32
        %eq3A_346 = arith.cmpi eq, %jit3A_344, %eq3A_345 : i32
        %jit3A_347 = arith.constant 1 : i32
        %select_n3A_348 = arith.select %eq3A_346, %jit3A_347, %jit3A_344 : i32
        %rem3A_349 = arith.remsi %while3A_271, %select_n3A_348 : i32
        %ne3A_350 = arith.constant 0 : i32
        %ne3A_351 = arith.cmpi ne, %rem3A_349, %ne3A_350 : i32
        %lt3A_352 = arith.constant 0 : i32
        %lt3A_353 = arith.cmpi slt, %rem3A_349, %lt3A_352 : i32
        %lt3A_354 = arith.constant 0 : i32
        %lt3A_355 = arith.cmpi slt, %select_n3A_348, %lt3A_354 : i32
        %ne3A_356 = arith.xori %lt3A_353, %lt3A_355 : i1
        %and3A_357 = arith.andi %ne3A_356, %ne3A_351 : i1
        %add3A_358 = arith.addi %rem3A_349, %select_n3A_348 : i32
        %select_n3A_359 = arith.select %and3A_357, %add3A_358, %rem3A_349 : i32
        %ge3A = arith.constant 64 : i32
        %ge3A_360 = arith.cmpi sge, %while3A_271, %ge3A : i32
        %convert_element_type3A_361 = arith.extui %ge3A_360 : i1 to i32
        %cond3A_362 = arith.constant 0 : i32
        %cond3A_363 = arith.cmpi ne, %convert_element_type3A_361, %cond3A_362 : i32
        scf.if %cond3A_363 {
          %dma_wait3A_384 = arith.constant 0 : i32
          %dma_wait3A_385 = arith.constant 0 : i32
          %dma_wait3A_386 = tpu.memref_slice %arg10[%dma_wait3A_384, %dma_wait3A_385] : memref<64x32xf32, #tpu.memory_space<vmem>> -> memref<1x32xf32, #tpu.memory_space<vmem>>
          %dma_wait3A_387 = tpu.memref_squeeze %dma_wait3A_386 : memref<1x32xf32, #tpu.memory_space<vmem>> -> memref<32xf32, #tpu.memory_space<vmem>>
          %dma_wait3A_388 = arith.constant 0 : i32
          %dma_wait3A_389 = tpu.memref_slice %arg5[%dma_wait3A_388] : memref<3407872xf32, #tpu.memory_space<hbm>> -> memref<32xf32, #tpu.memory_space<hbm>>
          %dma_wait3A_390 = arith.constant 0 : i32
          %dma_wait3A_391 = tpu.memref_slice %arg5[%dma_wait3A_390] : memref<3407872xf32, #tpu.memory_space<hbm>> -> memref<32xf32, #tpu.memory_space<hbm>>
          %dma_wait3A_392 = arith.constant 0 : i32
          %dma_wait3A_393 = tpu.memref_slice %arg10[%dma_wait3A_384, %dma_wait3A_392] : memref<64x32xf32, #tpu.memory_space<vmem>> -> memref<1x32xf32, #tpu.memory_space<vmem>>
          %dma_wait3A_394 = tpu.memref_squeeze %dma_wait3A_393 : memref<1x32xf32, #tpu.memory_space<vmem>> -> memref<32xf32, #tpu.memory_space<vmem>>
          tpu.wait_dma2 semaphore(%arg12 : memref<!tpu.dma_semaphore, #tpu.memory_space<semaphore_mem>>) src(%dma_wait3A_394 : memref<32xf32, #tpu.memory_space<vmem>>) dst(%dma_wait3A_391 : memref<32xf32, #tpu.memory_space<hbm>>)
        } else {
        }
        %swap3A = arith.index_cast %select_n3A_359 : i32 to index
        %swap3A_364 = arith.constant 0 : index
        %swap3A_365 = tpu.vector_load %arg10[%swap3A, %swap3A_364] {strides = array<i32>} : memref<64x32xf32, #tpu.memory_space<vmem>>, vector<16xf32>,
        tpu.vector_store %arg10[%swap3A, %swap3A_364], %gather3A {strides = array<i32>} : memref<64x32xf32, #tpu.memory_space<vmem>>, vector<16xf32>,
        %swap3A_366 = arith.index_cast %select_n3A_359 : i32 to index
        %swap3A_367 = arith.constant 16 : index
        %swap3A_368 = tpu.vector_load %arg10[%swap3A_366, %swap3A_367] {strides = array<i32>} : memref<64x32xf32, #tpu.memory_space<vmem>>, vector<16xf32>,
        tpu.vector_store %arg10[%swap3A_366, %swap3A_367], %gather3A_343 {strides = array<i32>} : memref<64x32xf32, #tpu.memory_space<vmem>>, vector<16xf32>,
        %mul3A_369 = arith.constant 832 : i32
        %mul3A_370 = arith.muli %and3A_295, %mul3A_369 : i32
        %mul3A_371 = arith.constant 32 : i32
        %mul3A_372 = arith.muli %select_n3A_138, %mul3A_371 : i32
        %add3A_373 = arith.addi %mul3A_370, %mul3A_372 : i32
        %dma_start3A_374 = arith.constant 0 : i32
        %dma_start3A_375 = tpu.memref_slice %arg10[%select_n3A_359, %dma_start3A_374] : memref<64x32xf32, #tpu.memory_space<vmem>> -> memref<1x32xf32, #tpu.memory_space<vmem>>
        %dma_start3A_376 = tpu.memref_squeeze %dma_start3A_375 : memref<1x32xf32, #tpu.memory_space<vmem>> -> memref<32xf32, #tpu.memory_space<vmem>>
        %dma_start3A_377 = tpu.memref_slice %arg5[%add3A_373] : memref<3407872xf32, #tpu.memory_space<hbm>> -> memref<32xf32, #tpu.memory_space<hbm>>
        %dma_start3A_378 = tpu.memref_slice %arg5[%add3A_373] : memref<3407872xf32, #tpu.memory_space<hbm>> -> memref<32xf32, #tpu.memory_space<hbm>>
        %dma_start3A_379 = arith.constant 0 : i32
        %dma_start3A_380 = tpu.memref_slice %arg10[%select_n3A_359, %dma_start3A_379] : memref<64x32xf32, #tpu.memory_space<vmem>> -> memref<1x32xf32, #tpu.memory_space<vmem>>
        %dma_start3A_381 = tpu.memref_squeeze %dma_start3A_380 : memref<1x32xf32, #tpu.memory_space<vmem>> -> memref<32xf32, #tpu.memory_space<vmem>>
        tpu.enqueue_dma source(%dma_start3A_381 : memref<32xf32, #tpu.memory_space<vmem>>) target(%dma_start3A_378 : memref<32xf32, #tpu.memory_space<hbm>>) target_semaphore(%arg12 : memref<!tpu.dma_semaphore, #tpu.memory_space<semaphore_mem>>)
        %add3A_382 = arith.constant 1 : i32
        %add3A_383 = arith.addi %while3A_271, %add3A_382 : i32
        scf.yield %add3A_383 : i32
      }
      %while3A_215 = arith.constant 1 : i32
      %while3A_216 = scf.for %while3A_270 = %while3A_212 to %while3A_208 step %while3A_215 iter_args(%while3A_271 = %while3A_214) -> (i32)  : i32 {
        %jit3A_272 = arith.constant 2 : i32
        %eq3A_273 = arith.constant 0 : i32
        %eq3A_274 = arith.cmpi eq, %jit3A_272, %eq3A_273 : i32
        %jit3A_275 = arith.constant 1 : i32
        %select_n3A_276 = arith.select %eq3A_274, %jit3A_275, %jit3A_272 : i32
        %rem3A_277 = arith.remsi %select_n3A_138, %select_n3A_276 : i32
        %ne3A_278 = arith.constant 0 : i32
        %ne3A_279 = arith.cmpi ne, %rem3A_277, %ne3A_278 : i32
        %lt3A_280 = arith.constant 0 : i32
        %lt3A_281 = arith.cmpi slt, %rem3A_277, %lt3A_280 : i32
        %lt3A_282 = arith.constant 0 : i32
        %lt3A_283 = arith.cmpi slt, %select_n3A_276, %lt3A_282 : i32
        %ne3A_284 = arith.xori %lt3A_281, %lt3A_283 : i1
        %and3A_285 = arith.andi %ne3A_284, %ne3A_279 : i1
        %add3A_286 = arith.addi %rem3A_277, %select_n3A_276 : i32
        %select_n3A_287 = arith.select %and3A_285, %add3A_286, %rem3A_277 : i32
        %get3A_288 = arith.index_cast %select_n3A_287 : i32 to index
        %get3A_289 = arith.index_cast %while3A_270 : i32 to index
        %get3A_290 = tpu.vector_load %arg7[%get3A_288, %get3A_289] {strides = array<i32>} : memref<2x4112xi32, #tpu.memory_space<vmem>>, vector<16xi32>,
        %slice3A_291 = vector.extract_strided_slice %get3A_290 {offsets = [0], sizes = [1], strides = [1]} : vector<16xi32> to vector<1xi32>
        %squeeze3A_292 = vector.extract %slice3A_291[0] : i32 from vector<1xi32>
        %shift_right_arithmetic3A = arith.constant 12 : i32
        %shift_right_arithmetic3A_293 = arith.shrsi %squeeze3A_292, %shift_right_arithmetic3A : i32
        %and3A_294 = arith.constant 4095 : i32
        %and3A_295 = arith.andi %squeeze3A_292, %and3A_294 : i32
        %mul3A_296 = arith.constant 128 : i32
        %mul3A_297 = arith.muli %mul3A_186, %mul3A_296 : i32
        %sub3A_298 = arith.subi %shift_right_arithmetic3A_293, %mul3A_297 : i32
        %jit3A_299 = arith.constant 4 : i32
        %eq3A_300 = arith.constant 0 : i32
        %eq3A_301 = arith.cmpi eq, %jit3A_299, %eq3A_300 : i32
        %jit3A_302 = arith.constant 1 : i32
        %select_n3A_303 = arith.select %eq3A_301, %jit3A_302, %jit3A_299 : i32
        %rem3A_304 = arith.remsi %scan3A_118, %select_n3A_303 : i32
        %ne3A_305 = arith.constant 0 : i32
        %ne3A_306 = arith.cmpi ne, %rem3A_304, %ne3A_305 : i32
        %lt3A_307 = arith.constant 0 : i32
        %lt3A_308 = arith.cmpi slt, %rem3A_304, %lt3A_307 : i32
        %lt3A_309 = arith.constant 0 : i32
        %lt3A_310 = arith.cmpi slt, %select_n3A_303, %lt3A_309 : i32
        %ne3A_311 = arith.xori %lt3A_308, %lt3A_310 : i1
        %and3A_312 = arith.andi %ne3A_311, %ne3A_306 : i1
        %add3A_313 = arith.addi %rem3A_304, %select_n3A_303 : i32
        %select_n3A_314 = arith.select %and3A_312, %add3A_313, %rem3A_304 : i32
        %broadcast_in_dim3A = vector.broadcast %select_n3A_314 : i32 to vector<16xi32>
        %broadcast_in_dim3A_315 = arith.constant 0 : i32
        %broadcast_in_dim3A_316 = vector.broadcast %broadcast_in_dim3A_315 : i32 to vector<16xi32>
        %add3A_317 = vector.broadcast %sub3A_298 : i32 to vector<16xi32>
        %add3A_318 = arith.addi %broadcast_in_dim3A_316, %add3A_317 : vector<16xi32>
        %gather3A = tpu.vector_load_idx %arg8[%broadcast_in_dim3A, %iota3A, %add3A_318] : memref<4x32x640xf32, #tpu.memory_space<vmem>>[vector<16xi32>, vector<16xi32>, vector<16xi32>], vector<16xf32>,
        %jit3A_319 = arith.constant 4 : i32
        %eq3A_320 = arith.constant 0 : i32
        %eq3A_321 = arith.cmpi eq, %jit3A_319, %eq3A_320 : i32
        %jit3A_322 = arith.constant 1 : i32
        %select_n3A_323 = arith.select %eq3A_321, %jit3A_322, %jit3A_319 : i32
        %rem3A_324 = arith.remsi %scan3A_118, %select_n3A_323 : i32
        %ne3A_325 = arith.constant 0 : i32
        %ne3A_326 = arith.cmpi ne, %rem3A_324, %ne3A_325 : i32
        %lt3A_327 = arith.constant 0 : i32
        %lt3A_328 = arith.cmpi slt, %rem3A_324, %lt3A_327 : i32
        %lt3A_329 = arith.constant 0 : i32
        %lt3A_330 = arith.cmpi slt, %select_n3A_323, %lt3A_329 : i32
        %ne3A_331 = arith.xori %lt3A_328, %lt3A_330 : i1
        %and3A_332 = arith.andi %ne3A_331, %ne3A_326 : i1
        %add3A_333 = arith.addi %rem3A_324, %select_n3A_323 : i32
        %select_n3A_334 = arith.select %and3A_332, %add3A_333, %rem3A_324 : i32
        %broadcast_in_dim3A_335 = vector.broadcast %select_n3A_334 : i32 to vector<16xi32>
        %add3A_336 = arith.constant 16 : i32
        %add3A_337 = vector.broadcast %add3A_336 : i32 to vector<16xi32>
        %add3A_338 = arith.addi %iota3A, %add3A_337 : vector<16xi32>
        %broadcast_in_dim3A_339 = arith.constant 0 : i32
        %broadcast_in_dim3A_340 = vector.broadcast %broadcast_in_dim3A_339 : i32 to vector<16xi32>
        %add3A_341 = vector.broadcast %sub3A_298 : i32 to vector<16xi32>
        %add3A_342 = arith.addi %broadcast_in_dim3A_340, %add3A_341 : vector<16xi32>
        %gather3A_343 = tpu.vector_load_idx %arg8[%broadcast_in_dim3A_335, %add3A_338, %add3A_342] : memref<4x32x640xf32, #tpu.memory_space<vmem>>[vector<16xi32>, vector<16xi32>, vector<16xi32>], vector<16xf32>,
        %jit3A_344 = arith.constant 64 : i32
        %eq3A_345 = arith.constant 0 : i32
        %eq3A_346 = arith.cmpi eq, %jit3A_344, %eq3A_345 : i32
        %jit3A_347 = arith.constant 1 : i32
        %select_n3A_348 = arith.select %eq3A_346, %jit3A_347, %jit3A_344 : i32
        %rem3A_349 = arith.remsi %while3A_271, %select_n3A_348 : i32
        %ne3A_350 = arith.constant 0 : i32
        %ne3A_351 = arith.cmpi ne, %rem3A_349, %ne3A_350 : i32
        %lt3A_352 = arith.constant 0 : i32
        %lt3A_353 = arith.cmpi slt, %rem3A_349, %lt3A_352 : i32
        %lt3A_354 = arith.constant 0 : i32
        %lt3A_355 = arith.cmpi slt, %select_n3A_348, %lt3A_354 : i32
        %ne3A_356 = arith.xori %lt3A_353, %lt3A_355 : i1
        %and3A_357 = arith.andi %ne3A_356, %ne3A_351 : i1
        %add3A_358 = arith.addi %rem3A_349, %select_n3A_348 : i32
        %select_n3A_359 = arith.select %and3A_357, %add3A_358, %rem3A_349 : i32
        %ge3A = arith.constant 64 : i32
        %ge3A_360 = arith.cmpi sge, %while3A_271, %ge3A : i32
        %convert_element_type3A_361 = arith.extui %ge3A_360 : i1 to i32
        %cond3A_362 = arith.constant 0 : i32
        %cond3A_363 = arith.cmpi ne, %convert_element_type3A_361, %cond3A_362 : i32
        scf.if %cond3A_363 {
          %dma_wait3A_384 = arith.constant 0 : i32
          %dma_wait3A_385 = arith.constant 0 : i32
          %dma_wait3A_386 = tpu.memref_slice %arg10[%dma_wait3A_384, %dma_wait3A_385] : memref<64x32xf32, #tpu.memory_space<vmem>> -> memref<1x32xf32, #tpu.memory_space<vmem>>
          %dma_wait3A_387 = tpu.memref_squeeze %dma_wait3A_386 : memref<1x32xf32, #tpu.memory_space<vmem>> -> memref<32xf32, #tpu.memory_space<vmem>>
          %dma_wait3A_388 = arith.constant 0 : i32
          %dma_wait3A_389 = tpu.memref_slice %arg5[%dma_wait3A_388] : memref<3407872xf32, #tpu.memory_space<hbm>> -> memref<32xf32, #tpu.memory_space<hbm>>
          %dma_wait3A_390 = arith.constant 0 : i32
          %dma_wait3A_391 = tpu.memref_slice %arg5[%dma_wait3A_390] : memref<3407872xf32, #tpu.memory_space<hbm>> -> memref<32xf32, #tpu.memory_space<hbm>>
          %dma_wait3A_392 = arith.constant 0 : i32
          %dma_wait3A_393 = tpu.memref_slice %arg10[%dma_wait3A_384, %dma_wait3A_392] : memref<64x32xf32, #tpu.memory_space<vmem>> -> memref<1x32xf32, #tpu.memory_space<vmem>>
          %dma_wait3A_394 = tpu.memref_squeeze %dma_wait3A_393 : memref<1x32xf32, #tpu.memory_space<vmem>> -> memref<32xf32, #tpu.memory_space<vmem>>
          tpu.wait_dma2 semaphore(%arg12 : memref<!tpu.dma_semaphore, #tpu.memory_space<semaphore_mem>>) src(%dma_wait3A_394 : memref<32xf32, #tpu.memory_space<vmem>>) dst(%dma_wait3A_391 : memref<32xf32, #tpu.memory_space<hbm>>)
        } else {
        }
        %swap3A = arith.index_cast %select_n3A_359 : i32 to index
        %swap3A_364 = arith.constant 0 : index
        %swap3A_365 = tpu.vector_load %arg10[%swap3A, %swap3A_364] {strides = array<i32>} : memref<64x32xf32, #tpu.memory_space<vmem>>, vector<16xf32>,
        tpu.vector_store %arg10[%swap3A, %swap3A_364], %gather3A {strides = array<i32>} : memref<64x32xf32, #tpu.memory_space<vmem>>, vector<16xf32>,
        %swap3A_366 = arith.index_cast %select_n3A_359 : i32 to index
        %swap3A_367 = arith.constant 16 : index
        %swap3A_368 = tpu.vector_load %arg10[%swap3A_366, %swap3A_367] {strides = array<i32>} : memref<64x32xf32, #tpu.memory_space<vmem>>, vector<16xf32>,
        tpu.vector_store %arg10[%swap3A_366, %swap3A_367], %gather3A_343 {strides = array<i32>} : memref<64x32xf32, #tpu.memory_space<vmem>>, vector<16xf32>,
        %mul3A_369 = arith.constant 832 : i32
        %mul3A_370 = arith.muli %and3A_295, %mul3A_369 : i32
        %mul3A_371 = arith.constant 32 : i32
        %mul3A_372 = arith.muli %select_n3A_138, %mul3A_371 : i32
        %add3A_373 = arith.addi %mul3A_370, %mul3A_372 : i32
        %dma_start3A_374 = arith.constant 0 : i32
        %dma_start3A_375 = tpu.memref_slice %arg10[%select_n3A_359, %dma_start3A_374] : memref<64x32xf32, #tpu.memory_space<vmem>> -> memref<1x32xf32, #tpu.memory_space<vmem>>
        %dma_start3A_376 = tpu.memref_squeeze %dma_start3A_375 : memref<1x32xf32, #tpu.memory_space<vmem>> -> memref<32xf32, #tpu.memory_space<vmem>>
        %dma_start3A_377 = tpu.memref_slice %arg5[%add3A_373] : memref<3407872xf32, #tpu.memory_space<hbm>> -> memref<32xf32, #tpu.memory_space<hbm>>
        %dma_start3A_378 = tpu.memref_slice %arg5[%add3A_373] : memref<3407872xf32, #tpu.memory_space<hbm>> -> memref<32xf32, #tpu.memory_space<hbm>>
        %dma_start3A_379 = arith.constant 0 : i32
        %dma_start3A_380 = tpu.memref_slice %arg10[%select_n3A_359, %dma_start3A_379] : memref<64x32xf32, #tpu.memory_space<vmem>> -> memref<1x32xf32, #tpu.memory_space<vmem>>
        %dma_start3A_381 = tpu.memref_squeeze %dma_start3A_380 : memref<1x32xf32, #tpu.memory_space<vmem>> -> memref<32xf32, #tpu.memory_space<vmem>>
        tpu.enqueue_dma source(%dma_start3A_381 : memref<32xf32, #tpu.memory_space<vmem>>) target(%dma_start3A_378 : memref<32xf32, #tpu.memory_space<hbm>>) target_semaphore(%arg12 : memref<!tpu.dma_semaphore, #tpu.memory_space<semaphore_mem>>)
        %add3A_382 = arith.constant 1 : i32
        %add3A_383 = arith.addi %while3A_271, %add3A_382 : i32
        scf.yield %add3A_383 : i32
      }
      %add3A_217 = arith.constant 4 : i32
      %add3A_218 = arith.addi %scan3A_118, %add3A_217 : i32
      %jit3A_219 = arith.constant 5 : i32
      %div3A_220 = arith.divsi %add3A_218, %jit3A_219 : i32
      %sign3A_221 = arith.constant 0 : i32
      %sign3A_222 = arith.cmpi sgt, %add3A_218, %sign3A_221 : i32
      %sign3A_223 = arith.extui %sign3A_222 : i1 to i32
      %sign3A_224 = arith.constant 0 : i32
      %sign3A_225 = arith.cmpi slt, %add3A_218, %sign3A_224 : i32
      %sign3A_226 = arith.extui %sign3A_225 : i1 to i32
      %sign3A_227 = arith.subi %sign3A_223, %sign3A_226 : i32
      %sign3A_228 = arith.constant 0 : i32
      %sign3A_229 = arith.cmpi sgt, %jit3A_219, %sign3A_228 : i32
      %sign3A_230 = arith.extui %sign3A_229 : i1 to i32
      %sign3A_231 = arith.constant 0 : i32
      %sign3A_232 = arith.cmpi slt, %jit3A_219, %sign3A_231 : i32
      %sign3A_233 = arith.extui %sign3A_232 : i1 to i32
      %sign3A_234 = arith.subi %sign3A_230, %sign3A_233 : i32
      %ne3A_235 = arith.cmpi ne, %sign3A_227, %sign3A_234 : i32
      %rem3A_236 = arith.remsi %add3A_218, %jit3A_219 : i32
      %ne3A_237 = arith.constant 0 : i32
      %ne3A_238 = arith.cmpi ne, %rem3A_236, %ne3A_237 : i32
      %and3A_239 = arith.andi %ne3A_235, %ne3A_238 : i1
      %sub3A_240 = arith.constant 1 : i32
      %sub3A_241 = arith.subi %div3A_220, %sub3A_240 : i32
      %select_n3A_242 = arith.select %and3A_239, %sub3A_241, %div3A_220 : i32
      %jit3A_243 = arith.constant 5 : i32
      %eq3A_244 = arith.constant 0 : i32
      %eq3A_245 = arith.cmpi eq, %jit3A_243, %eq3A_244 : i32
      %jit3A_246 = arith.constant 1 : i32
      %select_n3A_247 = arith.select %eq3A_245, %jit3A_246, %jit3A_243 : i32
      %rem3A_248 = arith.remsi %add3A_218, %select_n3A_247 : i32
      %ne3A_249 = arith.constant 0 : i32
      %ne3A_250 = arith.cmpi ne, %rem3A_248, %ne3A_249 : i32
      %lt3A_251 = arith.constant 0 : i32
      %lt3A_252 = arith.cmpi slt, %rem3A_248, %lt3A_251 : i32
      %lt3A_253 = arith.constant 0 : i32
      %lt3A_254 = arith.cmpi slt, %select_n3A_247, %lt3A_253 : i32
      %ne3A_255 = arith.xori %lt3A_252, %lt3A_254 : i1
      %and3A_256 = arith.andi %ne3A_255, %ne3A_250 : i1
      %add3A_257 = arith.addi %rem3A_248, %select_n3A_247 : i32
      %select_n3A_258 = arith.select %and3A_256, %add3A_257, %rem3A_248 : i32
      %mul3A_259 = arith.constant 5 : i32
      %mul3A_260 = arith.muli %add3A, %mul3A_259 : i32
      %add3A_261 = arith.addi %mul3A_260, %select_n3A_258 : i32
      %lt3A_262 = arith.constant 130 : i32
      %lt3A_263 = arith.cmpi slt, %add3A_218, %lt3A_262 : i32
      %lt3A_264 = arith.constant 156 : i32
      %lt3A_265 = arith.cmpi slt, %add3A_261, %lt3A_264 : i32
      %and3A_266 = arith.andi %lt3A_263, %lt3A_265 : i1
      %convert_element_type3A_267 = arith.extui %and3A_266 : i1 to i32
      %cond3A_268 = arith.constant 0 : i32
      %cond3A_269 = arith.cmpi ne, %convert_element_type3A_267, %cond3A_268 : i32
      scf.if %cond3A_269 {
        %mul3A_270 = arith.constant 32 : i32
        %mul3A_271 = arith.muli %select_n3A_242, %mul3A_270 : i32
        %mul3A_272 = arith.constant 640 : i32
        %mul3A_273 = arith.muli %add3A_261, %mul3A_272 : i32
        %jit3A_274 = arith.constant 4 : i32
        %eq3A_275 = arith.constant 0 : i32
        %eq3A_276 = arith.cmpi eq, %jit3A_274, %eq3A_275 : i32
        %jit3A_277 = arith.constant 1 : i32
        %select_n3A_278 = arith.select %eq3A_276, %jit3A_277, %jit3A_274 : i32
        %rem3A_279 = arith.remsi %add3A_218, %select_n3A_278 : i32
        %ne3A_280 = arith.constant 0 : i32
        %ne3A_281 = arith.cmpi ne, %rem3A_279, %ne3A_280 : i32
        %lt3A_282 = arith.constant 0 : i32
        %lt3A_283 = arith.cmpi slt, %rem3A_279, %lt3A_282 : i32
        %lt3A_284 = arith.constant 0 : i32
        %lt3A_285 = arith.cmpi slt, %select_n3A_278, %lt3A_284 : i32
        %ne3A_286 = arith.xori %lt3A_283, %lt3A_285 : i1
        %and3A_287 = arith.andi %ne3A_286, %ne3A_281 : i1
        %add3A_288 = arith.addi %rem3A_279, %select_n3A_278 : i32
        %select_n3A_289 = arith.select %and3A_287, %add3A_288, %rem3A_279 : i32
        %dma_start3A_290 = arith.constant 0 : i32
        %dma_start3A_291 = arith.constant 0 : i32
        %dma_start3A_292 = tpu.memref_slice %arg8[%select_n3A_289, %dma_start3A_290, %dma_start3A_291] : memref<4x32x640xf32, #tpu.memory_space<vmem>> -> memref<1x32x640xf32, #tpu.memory_space<vmem>>
        %dma_start3A_293 = tpu.memref_squeeze %dma_start3A_292 : memref<1x32x640xf32, #tpu.memory_space<vmem>> -> memref<32x640xf32, #tpu.memory_space<vmem>>
        %dma_start3A_294 = tpu.memref_slice %arg4[%mul3A_271, %mul3A_273] : memref<832x100000xf32, #tpu.memory_space<hbm>> -> memref<32x640xf32, #tpu.memory_space<hbm>>
        %dma_start3A_295 = arith.constant 0 : i32
        %dma_start3A_296 = arith.constant 0 : i32
        %dma_start3A_297 = tpu.memref_slice %arg8[%select_n3A_289, %dma_start3A_295, %dma_start3A_296] : memref<4x32x640xf32, #tpu.memory_space<vmem>> -> memref<1x32x640xf32, #tpu.memory_space<vmem>>
        %dma_start3A_298 = tpu.memref_squeeze %dma_start3A_297 : memref<1x32x640xf32, #tpu.memory_space<vmem>> -> memref<32x640xf32, #tpu.memory_space<vmem>>
        %dma_start3A_299 = tpu.memref_slice %arg4[%mul3A_271, %mul3A_273] : memref<832x100000xf32, #tpu.memory_space<hbm>> -> memref<32x640xf32, #tpu.memory_space<hbm>>
        tpu.enqueue_dma source(%dma_start3A_299 : memref<32x640xf32, #tpu.memory_space<hbm>>) target(%dma_start3A_298 : memref<32x640xf32, #tpu.memory_space<vmem>>) target_semaphore(%arg11 : memref<!tpu.dma_semaphore, #tpu.memory_space<semaphore_mem>>)
      } else {
      }
      scf.yield %while3A_216 : i32
    }
    %scan3A_77 = arith.constant 130 : i32
    %lt3A_78 = arith.constant 26 : i32
    %lt3A_79 = arith.cmpi slt, %add3A, %lt3A_78 : i32
    %min3A = arith.constant 25 : i32
    %min3A_80 = arith.minsi %add3A, %min3A : i32
    %convert_element_type3A_81 = arith.extui %lt3A_79 : i1 to i32
    %cond3A_82 = arith.constant 0 : i32
    %cond3A_83 = arith.cmpi ne, %convert_element_type3A_81, %cond3A_82 : i32
    scf.if %cond3A_83 {
      %mul3A_118 = arith.constant 4096 : i32
      %mul3A_119 = arith.muli %min3A_80, %mul3A_118 : i32
      %run_scoped3A = arith.constant 0 : i32
      "tpu.region"() ({
        %run_scoped3A_122 = tpu.sem_alloc : memref<!tpu.dma_semaphore, #tpu.memory_space<semaphore_mem>>
        %dma_start3A_123 = arith.constant 0 : i32
        %dma_start3A_124 = tpu.memref_slice %arg7[%run_scoped3A, %dma_start3A_123] : memref<2x4112xi32, #tpu.memory_space<vmem>> -> memref<1x4096xi32, #tpu.memory_space<vmem>>
        %dma_start3A_125 = tpu.memref_squeeze %dma_start3A_124 : memref<1x4096xi32, #tpu.memory_space<vmem>> -> memref<4096xi32, #tpu.memory_space<vmem>>
        %dma_start3A_126 = tpu.memref_slice %arg2[%mul3A_119] : memref<106496xi32, #tpu.memory_space<hbm>> -> memref<4096xi32, #tpu.memory_space<hbm>>
        %dma_start3A_127 = arith.constant 0 : i32
        %dma_start3A_128 = tpu.memref_slice %arg7[%run_scoped3A, %dma_start3A_127] : memref<2x4112xi32, #tpu.memory_space<vmem>> -> memref<1x4096xi32, #tpu.memory_space<vmem>>
        %dma_start3A_129 = tpu.memref_squeeze %dma_start3A_128 : memref<1x4096xi32, #tpu.memory_space<vmem>> -> memref<4096xi32, #tpu.memory_space<vmem>>
        %dma_start3A_130 = tpu.memref_slice %arg2[%mul3A_119] : memref<106496xi32, #tpu.memory_space<hbm>> -> memref<4096xi32, #tpu.memory_space<hbm>>
        tpu.enqueue_dma source(%dma_start3A_130 : memref<4096xi32, #tpu.memory_space<hbm>>) target(%dma_start3A_129 : memref<4096xi32, #tpu.memory_space<vmem>>) target_semaphore(%run_scoped3A_122 : memref<!tpu.dma_semaphore, #tpu.memory_space<semaphore_mem>>)
        %dma_wait3A_131 = arith.constant 0 : i32
        %dma_wait3A_132 = tpu.memref_slice %arg7[%run_scoped3A, %dma_wait3A_131] : memref<2x4112xi32, #tpu.memory_space<vmem>> -> memref<1x4096xi32, #tpu.memory_space<vmem>>
        %dma_wait3A_133 = tpu.memref_squeeze %dma_wait3A_132 : memref<1x4096xi32, #tpu.memory_space<vmem>> -> memref<4096xi32, #tpu.memory_space<vmem>>
        %dma_wait3A_134 = tpu.memref_slice %arg2[%mul3A_119] : memref<106496xi32, #tpu.memory_space<hbm>> -> memref<4096xi32, #tpu.memory_space<hbm>>
        %dma_wait3A_135 = arith.constant 0 : i32
        %dma_wait3A_136 = tpu.memref_slice %arg7[%run_scoped3A, %dma_wait3A_135] : memref<2x4112xi32, #tpu.memory_space<vmem>> -> memref<1x4096xi32, #tpu.memory_space<vmem>>
        %dma_wait3A_137 = tpu.memref_squeeze %dma_wait3A_136 : memref<1x4096xi32, #tpu.memory_space<vmem>> -> memref<4096xi32, #tpu.memory_space<vmem>>
        %dma_wait3A_138 = tpu.memref_slice %arg2[%mul3A_119] : memref<106496xi32, #tpu.memory_space<hbm>> -> memref<4096xi32, #tpu.memory_space<hbm>>
        tpu.wait_dma2 semaphore(%run_scoped3A_122 : memref<!tpu.dma_semaphore, #tpu.memory_space<semaphore_mem>>) src(%dma_wait3A_138 : memref<4096xi32, #tpu.memory_space<hbm>>) dst(%dma_wait3A_137 : memref<4096xi32, #tpu.memory_space<vmem>>)
        tpu.yield
      }) : () -> ()
      %mul3A_120 = arith.constant 32 : i32
      %mul3A_121 = arith.muli %min3A_80, %mul3A_120 : i32
      "tpu.region"() ({
        %run_scoped3A_122 = tpu.sem_alloc : memref<!tpu.dma_semaphore, #tpu.memory_space<semaphore_mem>>
        %dma_start3A_123 = arith.constant 99840 : i32
        %dma_start3A_124 = tpu.memref_slice %arg4[%mul3A_121, %dma_start3A_123] : memref<832x100000xf32, #tpu.memory_space<hbm>> -> memref<32x160xf32, #tpu.memory_space<hbm>>
        %dma_start3A_125 = arith.constant 99840 : i32
        %dma_start3A_126 = tpu.memref_slice %arg4[%mul3A_121, %dma_start3A_125] : memref<832x100000xf32, #tpu.memory_space<hbm>> -> memref<32x160xf32, #tpu.memory_space<hbm>>
        tpu.enqueue_dma source(%dma_start3A_126 : memref<32x160xf32, #tpu.memory_space<hbm>>) target(%arg9 : memref<32x160xf32, #tpu.memory_space<vmem>>) target_semaphore(%run_scoped3A_122 : memref<!tpu.dma_semaphore, #tpu.memory_space<semaphore_mem>>)
        %dma_wait3A_127 = arith.constant 99840 : i32
        %dma_wait3A_128 = tpu.memref_slice %arg4[%mul3A_121, %dma_wait3A_127] : memref<832x100000xf32, #tpu.memory_space<hbm>> -> memref<32x160xf32, #tpu.memory_space<hbm>>
        %dma_wait3A_129 = arith.constant 99840 : i32
        %dma_wait3A_130 = tpu.memref_slice %arg4[%mul3A_121, %dma_wait3A_129] : memref<832x100000xf32, #tpu.memory_space<hbm>> -> memref<32x160xf32, #tpu.memory_space<hbm>>
        tpu.wait_dma2 semaphore(%run_scoped3A_122 : memref<!tpu.dma_semaphore, #tpu.memory_space<semaphore_mem>>) src(%dma_wait3A_130 : memref<32x160xf32, #tpu.memory_space<hbm>>) dst(%arg9 : memref<32x160xf32, #tpu.memory_space<vmem>>)
        tpu.yield
      }) : () -> ()
    } else {
    }
    %mul3A_84 = arith.constant 784 : i32
    %mul3A_85 = arith.muli %min3A_80, %mul3A_84 : i32
    %add3A_86 = arith.constant 780 : i32
    %add3A_87 = arith.addi %mul3A_85, %add3A_86 : i32
    %get3A = arith.index_cast %add3A_87 : i32 to index
    %get3A_88 = tpu.vector_load %arg6[%get3A] {strides = array<i32>} : memref<20400xi32, #tpu.memory_space<vmem>>, vector<16xi32>,
    %slice3A = vector.extract_strided_slice %get3A_88 {offsets = [0], sizes = [1], strides = [1]} : vector<16xi32> to vector<1xi32>
    %squeeze3A = vector.extract %slice3A[0] : i32 from vector<1xi32>
    %jit3A = arith.constant 0 : i32
    %select_n3A = arith.select %lt3A_79, %squeeze3A, %jit3A : i32
    %mul3A_89 = arith.constant 784 : i32
    %mul3A_90 = arith.muli %min3A_80, %mul3A_89 : i32
    %add3A_91 = arith.constant 780 : i32
    %add3A_92 = arith.addi %mul3A_90, %add3A_91 : i32
    %add3A_93 = arith.constant 2 : i32
    %add3A_94 = arith.addi %add3A_92, %add3A_93 : i32
    %get3A_95 = arith.index_cast %add3A_94 : i32 to index
    %get3A_96 = tpu.vector_load %arg6[%get3A_95] {strides = array<i32>} : memref<20400xi32, #tpu.memory_space<vmem>>, vector<16xi32>,
    %slice3A_97 = vector.extract_strided_slice %get3A_96 {offsets = [0], sizes = [1], strides = [1]} : vector<16xi32> to vector<1xi32>
    %squeeze3A_98 = vector.extract %slice3A_97[0] : i32 from vector<1xi32>
    %jit3A_99 = arith.constant 0 : i32
    %select_n3A_100 = arith.select %lt3A_79, %squeeze3A_98, %jit3A_99 : i32
    %while3A = arith.subi %select_n3A_100, %select_n3A : i32
    %while3A_101 = arith.addi %select_n3A, %while3A : i32
    %while3A_102 = arith.constant 1 : i32
    %while3A_103 = arith.divsi %while3A, %while3A_102 : i32
    %while3A_104 = arith.muli %while3A_103, %while3A_102 : i32
    %while3A_105 = arith.addi %select_n3A, %while3A_104 : i32
    %while3A_106 = arith.constant 1 : i32
    %while3A_107 = scf.for %while3A_118 = %select_n3A to %while3A_105 step %while3A_106 iter_args(%while3A_119 = %scan3A_76) -> (i32)  : i32 {
      %get3A_120 = arith.constant 0 : i32
      %get3A_121 = arith.index_cast %get3A_120 : i32 to index
      %get3A_122 = arith.index_cast %while3A_118 : i32 to index
      %get3A_123 = tpu.vector_load %arg7[%get3A_121, %get3A_122] {strides = array<i32>} : memref<2x4112xi32, #tpu.memory_space<vmem>>, vector<16xi32>,
      %slice3A_124 = vector.extract_strided_slice %get3A_123 {offsets = [0], sizes = [1], strides = [1]} : vector<16xi32> to vector<1xi32>
      %squeeze3A_125 = vector.extract %slice3A_124[0] : i32 from vector<1xi32>
      %shift_right_arithmetic3A = arith.constant 12 : i32
      %shift_right_arithmetic3A_126 = arith.shrsi %squeeze3A_125, %shift_right_arithmetic3A : i32
      %and3A_127 = arith.constant 4095 : i32
      %and3A_128 = arith.andi %squeeze3A_125, %and3A_127 : i32
      %sub3A = arith.constant 99840 : i32
      %sub3A_129 = arith.subi %shift_right_arithmetic3A_126, %sub3A : i32
      %broadcast_in_dim3A = arith.constant 0 : i32
      %broadcast_in_dim3A_130 = vector.broadcast %broadcast_in_dim3A : i32 to vector<16xi32>
      %add3A_131 = vector.broadcast %sub3A_129 : i32 to vector<16xi32>
      %add3A_132 = arith.addi %broadcast_in_dim3A_130, %add3A_131 : vector<16xi32>
      %gather3A = tpu.vector_load_idx %arg9[%iota3A, %add3A_132] : memref<32x160xf32, #tpu.memory_space<vmem>>[vector<16xi32>, vector<16xi32>], vector<16xf32>,
      %add3A_133 = arith.constant 16 : i32
      %add3A_134 = vector.broadcast %add3A_133 : i32 to vector<16xi32>
      %add3A_135 = arith.addi %iota3A, %add3A_134 : vector<16xi32>
      %broadcast_in_dim3A_136 = arith.constant 0 : i32
      %broadcast_in_dim3A_137 = vector.broadcast %broadcast_in_dim3A_136 : i32 to vector<16xi32>
      %add3A_138 = vector.broadcast %sub3A_129 : i32 to vector<16xi32>
      %add3A_139 = arith.addi %broadcast_in_dim3A_137, %add3A_138 : vector<16xi32>
      %gather3A_140 = tpu.vector_load_idx %arg9[%add3A_135, %add3A_139] : memref<32x160xf32, #tpu.memory_space<vmem>>[vector<16xi32>, vector<16xi32>], vector<16xf32>,
      %jit3A_141 = arith.constant 64 : i32
      %eq3A = arith.constant 0 : i32
      %eq3A_142 = arith.cmpi eq, %jit3A_141, %eq3A : i32
      %jit3A_143 = arith.constant 1 : i32
      %select_n3A_144 = arith.select %eq3A_142, %jit3A_143, %jit3A_141 : i32
      %rem3A = arith.remsi %while3A_119, %select_n3A_144 : i32
      %ne3A = arith.constant 0 : i32
      %ne3A_145 = arith.cmpi ne, %rem3A, %ne3A : i32
      %lt3A_146 = arith.constant 0 : i32
      %lt3A_147 = arith.cmpi slt, %rem3A, %lt3A_146 : i32
      %lt3A_148 = arith.constant 0 : i32
      %lt3A_149 = arith.cmpi slt, %select_n3A_144, %lt3A_148 : i32
      %ne3A_150 = arith.xori %lt3A_147, %lt3A_149 : i1
      %and3A_151 = arith.andi %ne3A_150, %ne3A_145 : i1
      %add3A_152 = arith.addi %rem3A, %select_n3A_144 : i32
      %select_n3A_153 = arith.select %and3A_151, %add3A_152, %rem3A : i32
      %ge3A = arith.constant 64 : i32
      %ge3A_154 = arith.cmpi sge, %while3A_119, %ge3A : i32
      %convert_element_type3A_155 = arith.extui %ge3A_154 : i1 to i32
      %cond3A_156 = arith.constant 0 : i32
      %cond3A_157 = arith.cmpi ne, %convert_element_type3A_155, %cond3A_156 : i32
      scf.if %cond3A_157 {
        %dma_wait3A_178 = arith.constant 0 : i32
        %dma_wait3A_179 = arith.constant 0 : i32
        %dma_wait3A_180 = tpu.memref_slice %arg10[%dma_wait3A_178, %dma_wait3A_179] : memref<64x32xf32, #tpu.memory_space<vmem>> -> memref<1x32xf32, #tpu.memory_space<vmem>>
        %dma_wait3A_181 = tpu.memref_squeeze %dma_wait3A_180 : memref<1x32xf32, #tpu.memory_space<vmem>> -> memref<32xf32, #tpu.memory_space<vmem>>
        %dma_wait3A_182 = arith.constant 0 : i32
        %dma_wait3A_183 = tpu.memref_slice %arg5[%dma_wait3A_182] : memref<3407872xf32, #tpu.memory_space<hbm>> -> memref<32xf32, #tpu.memory_space<hbm>>
        %dma_wait3A_184 = arith.constant 0 : i32
        %dma_wait3A_185 = tpu.memref_slice %arg5[%dma_wait3A_184] : memref<3407872xf32, #tpu.memory_space<hbm>> -> memref<32xf32, #tpu.memory_space<hbm>>
        %dma_wait3A_186 = arith.constant 0 : i32
        %dma_wait3A_187 = tpu.memref_slice %arg10[%dma_wait3A_178, %dma_wait3A_186] : memref<64x32xf32, #tpu.memory_space<vmem>> -> memref<1x32xf32, #tpu.memory_space<vmem>>
        %dma_wait3A_188 = tpu.memref_squeeze %dma_wait3A_187 : memref<1x32xf32, #tpu.memory_space<vmem>> -> memref<32xf32, #tpu.memory_space<vmem>>
        tpu.wait_dma2 semaphore(%arg12 : memref<!tpu.dma_semaphore, #tpu.memory_space<semaphore_mem>>) src(%dma_wait3A_188 : memref<32xf32, #tpu.memory_space<vmem>>) dst(%dma_wait3A_185 : memref<32xf32, #tpu.memory_space<hbm>>)
      } else {
      }
      %swap3A = arith.index_cast %select_n3A_153 : i32 to index
      %swap3A_158 = arith.constant 0 : index
      %swap3A_159 = tpu.vector_load %arg10[%swap3A, %swap3A_158] {strides = array<i32>} : memref<64x32xf32, #tpu.memory_space<vmem>>, vector<16xf32>,
      tpu.vector_store %arg10[%swap3A, %swap3A_158], %gather3A {strides = array<i32>} : memref<64x32xf32, #tpu.memory_space<vmem>>, vector<16xf32>,
      %swap3A_160 = arith.index_cast %select_n3A_153 : i32 to index
      %swap3A_161 = arith.constant 16 : index
      %swap3A_162 = tpu.vector_load %arg10[%swap3A_160, %swap3A_161] {strides = array<i32>} : memref<64x32xf32, #tpu.memory_space<vmem>>, vector<16xf32>,
      tpu.vector_store %arg10[%swap3A_160, %swap3A_161], %gather3A_140 {strides = array<i32>} : memref<64x32xf32, #tpu.memory_space<vmem>>, vector<16xf32>,
      %mul3A_163 = arith.constant 832 : i32
      %mul3A_164 = arith.muli %and3A_128, %mul3A_163 : i32
      %mul3A_165 = arith.constant 32 : i32
      %mul3A_166 = arith.muli %min3A_80, %mul3A_165 : i32
      %add3A_167 = arith.addi %mul3A_164, %mul3A_166 : i32
      %dma_start3A_168 = arith.constant 0 : i32
      %dma_start3A_169 = tpu.memref_slice %arg10[%select_n3A_153, %dma_start3A_168] : memref<64x32xf32, #tpu.memory_space<vmem>> -> memref<1x32xf32, #tpu.memory_space<vmem>>
      %dma_start3A_170 = tpu.memref_squeeze %dma_start3A_169 : memref<1x32xf32, #tpu.memory_space<vmem>> -> memref<32xf32, #tpu.memory_space<vmem>>
      %dma_start3A_171 = tpu.memref_slice %arg5[%add3A_167] : memref<3407872xf32, #tpu.memory_space<hbm>> -> memref<32xf32, #tpu.memory_space<hbm>>
      %dma_start3A_172 = tpu.memref_slice %arg5[%add3A_167] : memref<3407872xf32, #tpu.memory_space<hbm>> -> memref<32xf32, #tpu.memory_space<hbm>>
      %dma_start3A_173 = arith.constant 0 : i32
      %dma_start3A_174 = tpu.memref_slice %arg10[%select_n3A_153, %dma_start3A_173] : memref<64x32xf32, #tpu.memory_space<vmem>> -> memref<1x32xf32, #tpu.memory_space<vmem>>
      %dma_start3A_175 = tpu.memref_squeeze %dma_start3A_174 : memref<1x32xf32, #tpu.memory_space<vmem>> -> memref<32xf32, #tpu.memory_space<vmem>>
      tpu.enqueue_dma source(%dma_start3A_175 : memref<32xf32, #tpu.memory_space<vmem>>) target(%dma_start3A_172 : memref<32xf32, #tpu.memory_space<hbm>>) target_semaphore(%arg12 : memref<!tpu.dma_semaphore, #tpu.memory_space<semaphore_mem>>)
      %add3A_176 = arith.constant 1 : i32
      %add3A_177 = arith.addi %while3A_119, %add3A_176 : i32
      scf.yield %add3A_177 : i32
    }
    %while3A_108 = arith.constant 1 : i32
    %while3A_109 = scf.for %while3A_118 = %while3A_105 to %while3A_101 step %while3A_108 iter_args(%while3A_119 = %while3A_107) -> (i32)  : i32 {
      %get3A_120 = arith.constant 0 : i32
      %get3A_121 = arith.index_cast %get3A_120 : i32 to index
      %get3A_122 = arith.index_cast %while3A_118 : i32 to index
      %get3A_123 = tpu.vector_load %arg7[%get3A_121, %get3A_122] {strides = array<i32>} : memref<2x4112xi32, #tpu.memory_space<vmem>>, vector<16xi32>,
      %slice3A_124 = vector.extract_strided_slice %get3A_123 {offsets = [0], sizes = [1], strides = [1]} : vector<16xi32> to vector<1xi32>
      %squeeze3A_125 = vector.extract %slice3A_124[0] : i32 from vector<1xi32>
      %shift_right_arithmetic3A = arith.constant 12 : i32
      %shift_right_arithmetic3A_126 = arith.shrsi %squeeze3A_125, %shift_right_arithmetic3A : i32
      %and3A_127 = arith.constant 4095 : i32
      %and3A_128 = arith.andi %squeeze3A_125, %and3A_127 : i32
      %sub3A = arith.constant 99840 : i32
      %sub3A_129 = arith.subi %shift_right_arithmetic3A_126, %sub3A : i32
      %broadcast_in_dim3A = arith.constant 0 : i32
      %broadcast_in_dim3A_130 = vector.broadcast %broadcast_in_dim3A : i32 to vector<16xi32>
      %add3A_131 = vector.broadcast %sub3A_129 : i32 to vector<16xi32>
      %add3A_132 = arith.addi %broadcast_in_dim3A_130, %add3A_131 : vector<16xi32>
      %gather3A = tpu.vector_load_idx %arg9[%iota3A, %add3A_132] : memref<32x160xf32, #tpu.memory_space<vmem>>[vector<16xi32>, vector<16xi32>], vector<16xf32>,
      %add3A_133 = arith.constant 16 : i32
      %add3A_134 = vector.broadcast %add3A_133 : i32 to vector<16xi32>
      %add3A_135 = arith.addi %iota3A, %add3A_134 : vector<16xi32>
      %broadcast_in_dim3A_136 = arith.constant 0 : i32
      %broadcast_in_dim3A_137 = vector.broadcast %broadcast_in_dim3A_136 : i32 to vector<16xi32>
      %add3A_138 = vector.broadcast %sub3A_129 : i32 to vector<16xi32>
      %add3A_139 = arith.addi %broadcast_in_dim3A_137, %add3A_138 : vector<16xi32>
      %gather3A_140 = tpu.vector_load_idx %arg9[%add3A_135, %add3A_139] : memref<32x160xf32, #tpu.memory_space<vmem>>[vector<16xi32>, vector<16xi32>], vector<16xf32>,
      %jit3A_141 = arith.constant 64 : i32
      %eq3A = arith.constant 0 : i32
      %eq3A_142 = arith.cmpi eq, %jit3A_141, %eq3A : i32
      %jit3A_143 = arith.constant 1 : i32
      %select_n3A_144 = arith.select %eq3A_142, %jit3A_143, %jit3A_141 : i32
      %rem3A = arith.remsi %while3A_119, %select_n3A_144 : i32
      %ne3A = arith.constant 0 : i32
      %ne3A_145 = arith.cmpi ne, %rem3A, %ne3A : i32
      %lt3A_146 = arith.constant 0 : i32
      %lt3A_147 = arith.cmpi slt, %rem3A, %lt3A_146 : i32
      %lt3A_148 = arith.constant 0 : i32
      %lt3A_149 = arith.cmpi slt, %select_n3A_144, %lt3A_148 : i32
      %ne3A_150 = arith.xori %lt3A_147, %lt3A_149 : i1
      %and3A_151 = arith.andi %ne3A_150, %ne3A_145 : i1
      %add3A_152 = arith.addi %rem3A, %select_n3A_144 : i32
      %select_n3A_153 = arith.select %and3A_151, %add3A_152, %rem3A : i32
      %ge3A = arith.constant 64 : i32
      %ge3A_154 = arith.cmpi sge, %while3A_119, %ge3A : i32
      %convert_element_type3A_155 = arith.extui %ge3A_154 : i1 to i32
      %cond3A_156 = arith.constant 0 : i32
      %cond3A_157 = arith.cmpi ne, %convert_element_type3A_155, %cond3A_156 : i32
      scf.if %cond3A_157 {
        %dma_wait3A_178 = arith.constant 0 : i32
        %dma_wait3A_179 = arith.constant 0 : i32
        %dma_wait3A_180 = tpu.memref_slice %arg10[%dma_wait3A_178, %dma_wait3A_179] : memref<64x32xf32, #tpu.memory_space<vmem>> -> memref<1x32xf32, #tpu.memory_space<vmem>>
        %dma_wait3A_181 = tpu.memref_squeeze %dma_wait3A_180 : memref<1x32xf32, #tpu.memory_space<vmem>> -> memref<32xf32, #tpu.memory_space<vmem>>
        %dma_wait3A_182 = arith.constant 0 : i32
        %dma_wait3A_183 = tpu.memref_slice %arg5[%dma_wait3A_182] : memref<3407872xf32, #tpu.memory_space<hbm>> -> memref<32xf32, #tpu.memory_space<hbm>>
        %dma_wait3A_184 = arith.constant 0 : i32
        %dma_wait3A_185 = tpu.memref_slice %arg5[%dma_wait3A_184] : memref<3407872xf32, #tpu.memory_space<hbm>> -> memref<32xf32, #tpu.memory_space<hbm>>
        %dma_wait3A_186 = arith.constant 0 : i32
        %dma_wait3A_187 = tpu.memref_slice %arg10[%dma_wait3A_178, %dma_wait3A_186] : memref<64x32xf32, #tpu.memory_space<vmem>> -> memref<1x32xf32, #tpu.memory_space<vmem>>
        %dma_wait3A_188 = tpu.memref_squeeze %dma_wait3A_187 : memref<1x32xf32, #tpu.memory_space<vmem>> -> memref<32xf32, #tpu.memory_space<vmem>>
        tpu.wait_dma2 semaphore(%arg12 : memref<!tpu.dma_semaphore, #tpu.memory_space<semaphore_mem>>) src(%dma_wait3A_188 : memref<32xf32, #tpu.memory_space<vmem>>) dst(%dma_wait3A_185 : memref<32xf32, #tpu.memory_space<hbm>>)
      } else {
      }
      %swap3A = arith.index_cast %select_n3A_153 : i32 to index
      %swap3A_158 = arith.constant 0 : index
      %swap3A_159 = tpu.vector_load %arg10[%swap3A, %swap3A_158] {strides = array<i32>} : memref<64x32xf32, #tpu.memory_space<vmem>>, vector<16xf32>,
      tpu.vector_store %arg10[%swap3A, %swap3A_158], %gather3A {strides = array<i32>} : memref<64x32xf32, #tpu.memory_space<vmem>>, vector<16xf32>,
      %swap3A_160 = arith.index_cast %select_n3A_153 : i32 to index
      %swap3A_161 = arith.constant 16 : index
      %swap3A_162 = tpu.vector_load %arg10[%swap3A_160, %swap3A_161] {strides = array<i32>} : memref<64x32xf32, #tpu.memory_space<vmem>>, vector<16xf32>,
      tpu.vector_store %arg10[%swap3A_160, %swap3A_161], %gather3A_140 {strides = array<i32>} : memref<64x32xf32, #tpu.memory_space<vmem>>, vector<16xf32>,
      %mul3A_163 = arith.constant 832 : i32
      %mul3A_164 = arith.muli %and3A_128, %mul3A_163 : i32
      %mul3A_165 = arith.constant 32 : i32
      %mul3A_166 = arith.muli %min3A_80, %mul3A_165 : i32
      %add3A_167 = arith.addi %mul3A_164, %mul3A_166 : i32
      %dma_start3A_168 = arith.constant 0 : i32
      %dma_start3A_169 = tpu.memref_slice %arg10[%select_n3A_153, %dma_start3A_168] : memref<64x32xf32, #tpu.memory_space<vmem>> -> memref<1x32xf32, #tpu.memory_space<vmem>>
      %dma_start3A_170 = tpu.memref_squeeze %dma_start3A_169 : memref<1x32xf32, #tpu.memory_space<vmem>> -> memref<32xf32, #tpu.memory_space<vmem>>
      %dma_start3A_171 = tpu.memref_slice %arg5[%add3A_167] : memref<3407872xf32, #tpu.memory_space<hbm>> -> memref<32xf32, #tpu.memory_space<hbm>>
      %dma_start3A_172 = tpu.memref_slice %arg5[%add3A_167] : memref<3407872xf32, #tpu.memory_space<hbm>> -> memref<32xf32, #tpu.memory_space<hbm>>
      %dma_start3A_173 = arith.constant 0 : i32
      %dma_start3A_174 = tpu.memref_slice %arg10[%select_n3A_153, %dma_start3A_173] : memref<64x32xf32, #tpu.memory_space<vmem>> -> memref<1x32xf32, #tpu.memory_space<vmem>>
      %dma_start3A_175 = tpu.memref_squeeze %dma_start3A_174 : memref<1x32xf32, #tpu.memory_space<vmem>> -> memref<32xf32, #tpu.memory_space<vmem>>
      tpu.enqueue_dma source(%dma_start3A_175 : memref<32xf32, #tpu.memory_space<vmem>>) target(%dma_start3A_172 : memref<32xf32, #tpu.memory_space<hbm>>) target_semaphore(%arg12 : memref<!tpu.dma_semaphore, #tpu.memory_space<semaphore_mem>>)
      %add3A_176 = arith.constant 1 : i32
      %add3A_177 = arith.addi %while3A_119, %add3A_176 : i32
      scf.yield %add3A_177 : i32
    }
    %min3A_110 = arith.constant 64 : i32
    %min3A_111 = arith.minsi %while3A_109, %min3A_110 : i32
    %scan3A_112 = arith.constant 0 : i32
    %scan3A_113 = arith.constant 0 : i32
    %scan3A_114 = arith.constant 64 : i32
    %scan3A_115 = arith.addi %scan3A_113, %scan3A_114 : i32
    %scan3A_116 = arith.constant 1 : i32
    scf.for %scan3A_118 = %scan3A_113 to %scan3A_115 step %scan3A_116  : i32 {
      %lt3A_119 = arith.cmpi slt, %scan3A_118, %min3A_111 : i32
      %convert_element_type3A_120 = arith.extui %lt3A_119 : i1 to i32
      %cond3A_121 = arith.constant 0 : i32
      %cond3A_122 = arith.cmpi ne, %convert_element_type3A_120, %cond3A_121 : i32
      scf.if %cond3A_122 {
        %dma_wait3A_123 = arith.constant 0 : i32
        %dma_wait3A_124 = arith.constant 0 : i32
        %dma_wait3A_125 = tpu.memref_slice %arg10[%dma_wait3A_123, %dma_wait3A_124] : memref<64x32xf32, #tpu.memory_space<vmem>> -> memref<1x32xf32, #tpu.memory_space<vmem>>
        %dma_wait3A_126 = tpu.memref_squeeze %dma_wait3A_125 : memref<1x32xf32, #tpu.memory_space<vmem>> -> memref<32xf32, #tpu.memory_space<vmem>>
        %dma_wait3A_127 = arith.constant 0 : i32
        %dma_wait3A_128 = tpu.memref_slice %arg5[%dma_wait3A_127] : memref<3407872xf32, #tpu.memory_space<hbm>> -> memref<32xf32, #tpu.memory_space<hbm>>
        %dma_wait3A_129 = arith.constant 0 : i32
        %dma_wait3A_130 = tpu.memref_slice %arg5[%dma_wait3A_129] : memref<3407872xf32, #tpu.memory_space<hbm>> -> memref<32xf32, #tpu.memory_space<hbm>>
        %dma_wait3A_131 = arith.constant 0 : i32
        %dma_wait3A_132 = tpu.memref_slice %arg10[%dma_wait3A_123, %dma_wait3A_131] : memref<64x32xf32, #tpu.memory_space<vmem>> -> memref<1x32xf32, #tpu.memory_space<vmem>>
        %dma_wait3A_133 = tpu.memref_squeeze %dma_wait3A_132 : memref<1x32xf32, #tpu.memory_space<vmem>> -> memref<32xf32, #tpu.memory_space<vmem>>
        tpu.wait_dma2 semaphore(%arg12 : memref<!tpu.dma_semaphore, #tpu.memory_space<semaphore_mem>>) src(%dma_wait3A_133 : memref<32xf32, #tpu.memory_space<vmem>>) dst(%dma_wait3A_130 : memref<32xf32, #tpu.memory_space<hbm>>)
      } else {
      }
    }
    %scan3A_117 = arith.constant 64 : i32
    return
  }
}

</mosaic_0001>

<sc_bundles>
// kernel: _emb.4.cloned.1.call-start
scs
__scs_entry_jumppad:
0x0: {  	(pc) =	sbr.rel $0x88, $3  }
0x1: {  	(tag) =	ssettag $0x0;
	lr =	simm.s32 $0x1  }
0x2: {  	[smem:$0x3F9F] =	sst lr;
	_ =	strace $0xD0000000  }
0x3: {  	_ = 	snop  }
0x4: {  	_ = 	snop  }
0x5: {  	_ = 	snop  }
0x6: {  	_ = 	snop  }
0x7: {  	_ = 	snop  }
__scs_overlays_trampoline_lowered:
0x8: {  	[smem:$0x3FAE] =	sst s0  }
0x9: {  	[smem:$0x3FAF] =	sst s1  }
0xa: {  	[smem:$0x3FB0] =	sst s2  }
0xb: {  	[smem:$0x3FB1] =	sst s3  }
0xc: {  	[smem:$0x3FB2] =	sst s4  }
0xd: {  	[smem:$0x3FB3] =	sst s5  }
0xe: {  	[smem:$0x3FB4] =	sst s6  }
0xf: {  	[smem:$0x3FB5] =	sst s7  }
0x10: {  	[smem:$0x3FB6] =	sst s8  }
0x11: {  	[smem:$0x3FB7] =	sst s9;
	s0 =	simm.s32 @!p0 $0x0  }
0x12: {  	s1 =	sld [smem:$0x3F9D];
	s0 =	simm.s32 @p0 $0x1  }
0x13: {  	[smem:$0x3FB8] =	sst s0;
	s0 =	simm.s32 @!p1 $0x0  }
0x14: {  	s2 =	sld [smem:$0x3F9C];
	s0 =	simm.s32 @p1 $0x1  }
0x15: {  	[smem:$0x3FB9] =	sst s0;
	s0 =	simm.s32 @!p2 $0x0  }
0x16: {  	s3 =	sld [smem:$0x3FDB];
	s0 =	simm.s32 @p2 $0x1  }
0x17: {  	s4 =	simm.s32 $0x1BF5;
	[smem:$0x3FBB] =	sst s0  }
0x18: {  	s0 =	sld [smem:$0x3F9E];
	_ =	swait.ge [sflag:s4], $0x0  }
0x19: {  	s7 =	sld [smem:$0x3F9F]  }
0x1a: {  	s8 =	sadd.s32 $0xFFFFE003, lr  }
0x1b: {  	s9 =	sadd.s32 $0xFFFFFEF7, lr;
	s5 =	simm.s32 $0xFFFFFFFF;
	p2 =	slt.u32 s8, $0xFFFFF086  }
0x1c: {  	p1 =	slt.u32 s9, $0xF7A;
	s5 =	simm.s32 @!p2 $0x0  }
0x1d: {  	s5 =	simm.s32 @p1 $0x1;
	p0 =	seq.s32 s7, s2  }
0x1e: {  	s7 =	smul.u32 @!p0 $0xF7A, s2;
	p2 =	seq.s32 @!p0 s5, $0x0  }
0x1f: {  	s9 =	smul.u32 $0xF7A, s1;
	s8 =	simm.s32 @!p0 $0x1BF5;
	p2 =	por !p2, p0  }
0x20: {  	[sflag:s8] =	ssyncset.s32 @!p0 $0xFFFFF086;
	s6 =	sadd.s32 @!p0 s3, s7;
	s7 =	simm.s32 @!p0 $0x108  }
0x21: {  	s3 =	sadd.s32 s3, s9;
	s6 =	sadd.s32 @!p0 $0x88, s6;
	s7 =	simm.s32 @p2 $0x1082  }
0x22: {  	[simem:s7], [sflag:s8] =	dma.local @!p0 [hbm:s6], $0xF7A  }
0x23: {  	s9 =	sor.u32 $0xD0000000, s2;
	s6 =	simm.s32 $0x108;
	_ =	swait.ge @!p0 [sflag:s8], $0x0  }
0x24: {  	s3 =	sadd.s32 $0x88, s3;
	s6 =	simm.s32 @!p1 $0x1082;
	[sflag:s4] =	ssyncset.s32 $0xFFFFF086  }
0x25: {  	[simem:s6], [sflag:s4] =	dma.local [hbm:s3], $0xF7A  }
0x26: {  	[smem:$0x3F9F] =	sst s1;
	(tag) =	ssettag s2;
	_ =	strace s9  }
0x27: {  	s1 =	sld [smem:$0x3FAF]  }
0x28: {  	s2 =	sld [smem:$0x3FB0]  }
0x29: {  	s4 =	sld [smem:$0x3FB2]  }
0x2a: {  	p0 =	seq.s32 s5, $0x0;
	s5 =	sld [smem:$0x3FB3]  }
0x2b: {  	s6 =	sld [smem:$0x3FB4]  }
0x2c: {  	s7 =	sld [smem:$0x3FB5]  }
0x2d: {  	s3 =	simm.s32 $0x108;
	s8 =	sld [smem:$0x3FB6]  }
0x2e: {  	s3 =	simm.s32 @!p0 $0x1082;
	s9 =	sld [smem:$0x3FB7]  }
0x2f: {  	lr =	sadd.s32 s0, s3;
	s0 =	sld [smem:$0x3FAE]  }
0x30: {  	s3 =	sld [smem:$0x3FB1]  }
0x31: {  	[smem:$0x3FBA] =	sst s10  }
0x32: {  	s10 =	sld [smem:$0x3FB8];
	_ =	sdelay $0x3  }
0x33: {  	p0 =	seq.s32 s10, $0x1;
	s10 =	sld [smem:$0x3FBA];
	_ =	sdelay $0x3  }
0x34: {  	[smem:$0x3FBA] =	sst s10  }
0x35: {  	s10 =	sld [smem:$0x3FB9];
	_ =	sdelay $0x3  }
0x36: {  	p1 =	seq.s32 s10, $0x1;
	s10 =	sld [smem:$0x3FBA];
	_ =	sdelay $0x3  }
0x37: {  	[smem:$0x3FBA] =	sst s10  }
0x38: {  	s10 =	sld [smem:$0x3FBB]  }
0x39: {  	_ = 	snop;
	(pc) =	sbr.ind lr, $3  }
0x3a: {  	_ = 	snop  }
0x3b: {  	_ = 	snop  }
0x3c: {  	p2 =	seq.s32 s10, $0x1;
	s10 =	sld [smem:$0x3FBA]  }
0x3d: {  	_ =	shalt  }
0x3e: {  	_ =	shalt  }
0x3f: {  	_ =	shalt  }
0x40: {  	_ =	shalt  }
0x41: {  	_ =	shalt  }
0x42: {  	_ =	shalt  }
0x43: {  	_ =	shalt  }
0x44: {  	_ =	shalt  }
0x45: {  	_ =	shalt  }
0x46: {  	_ =	shalt  }
0x47: {  	_ =	shalt  }
0x48: {  	_ =	shalt  }
0x49: {  	_ =	shalt  }
0x4a: {  	_ =	shalt  }
0x4b: {  	_ =	shalt  }
0x4c: {  	_ =	shalt  }
0x4d: {  	_ =	shalt  }
0x4e: {  	_ =	shalt  }
0x4f: {  	_ =	shalt  }
0x50: {  	_ =	shalt  }
0x51: {  	_ =	shalt  }
0x52: {  	_ =	shalt  }
0x53: {  	_ =	shalt  }
0x54: {  	_ =	shalt  }
0x55: {  	_ =	shalt  }
0x56: {  	_ =	shalt  }
0x57: {  	_ =	shalt  }
0x58: {  	_ =	shalt  }
0x59: {  	_ =	shalt  }
0x5a: {  	_ =	shalt  }
0x5b: {  	_ =	shalt  }
0x5c: {  	_ =	shalt  }
0x5d: {  	_ =	shalt  }
0x5e: {  	_ =	shalt  }
0x5f: {  	_ =	shalt  }
0x60: {  	_ =	shalt  }
0x61: {  	_ =	shalt  }
0x62: {  	_ =	shalt  }
0x63: {  	_ =	shalt  }
0x64: {  	_ =	shalt  }
0x65: {  	_ =	shalt  }
0x66: {  	_ =	shalt  }
0x67: {  	_ =	shalt  }
0x68: {  	_ =	shalt  }
0x69: {  	_ =	shalt  }
0x6a: {  	_ =	shalt  }
0x6b: {  	_ =	shalt  }
0x6c: {  	_ =	shalt  }
0x6d: {  	_ =	shalt  }
0x6e: {  	_ =	shalt  }
0x6f: {  	_ =	shalt  }
0x70: {  	_ =	shalt  }
0x71: {  	_ =	shalt  }
0x72: {  	_ =	shalt  }
0x73: {  	_ =	shalt  }
0x74: {  	_ =	shalt  }
0x75: {  	_ =	shalt  }
0x76: {  	_ =	shalt  }
0x77: {  	_ =	shalt  }
0x78: {  	_ =	shalt  }
0x79: {  	_ =	shalt  }
0x7a: {  	_ =	shalt  }
0x7b: {  	_ =	shalt  }
0x7c: {  	_ =	shalt  }
0x7d: {  	_ =	shalt  }
0x7e: {  	_ =	shalt  }
0x7f: {  	_ =	shalt  }
0x80: {  	_ =	shalt  }
0x81: {  	_ =	shalt  }
0x82: {  	_ =	shalt  }
0x83: {  	_ =	shalt  }
0x84: {  	_ =	shalt  }
0x85: {  	_ =	shalt  }
0x86: {  	_ =	shalt  }
0x87: {  	_ =	shalt  }
.Lfunc_end0:
.L_simem_size_0:
called_computation_lowered:
.L_overlay_start_0:
0x88: {  	s2 =	sld [smem:$0x3FD9]  }
0x89: {  	s3 =	sld [smem:$0x3FFE];
	_ =	sdelay $0x1  }
0x8a: {  	s1 =	srdreg.scid  }
0x8b: {  	s0 =	sand.u32 $0x1, s1  }
0x8c: {  	s17 =	sshll.u32 s0, $0xA;
	s2 =	sadd.s32 s3, s2  }
0x8d: {  	s2 =	sadd.s32 s2, s17  }
0x8e: {  	[smem:$0x3FC6] =	sst s2  }
0x8f: {  	_ = 	snop  }
0x90: {  	s2 =	sld [smem:$0x3FC9];
	(tm) =	ssettm $0x1  }
0x91: {  	s18 =	sld [smem:$0x3FFB];
	_ =	sdelay $0x3  }
0x92: {  	_ =	strace s18  }
0x93: {  	s3 =	sld [smem:$0x3FFC];
	_ =	sdelay $0x3  }
0x94: {  	_ =	strace s3  }
0x95: {  	s3 =	sld [smem:$0x3FFD];
	_ =	sdelay $0x3  }
0x96: {  	_ =	strace s3  }
0x97: {  	_ =	strace $0x8FFFFFFF  }
0x98: {  	s19 =	sld [smem:$0x3FDB];
	_ =	sdelay $0x1  }
0x99: {  	s4 =	simm.s32 $_scs_section_size  }
0x9a: {  	s5 =	simm.s32 $_size__tile_overlayer_lowered;
	s6 =	simm.s32 $_tile_overlayer_lowered  }
0x9b: {  	s22 =	simm.s32 $0x1BFF;
	s21 =	sshll.u32 s6, $0x1;
	s3 =	sadd.s32 s4, s19  }
0x9c: {  	s7 =	simm.s32 $0x0;
	s20 =	sshll.u32 s5, $0x1;
	s5 =	sadd.s32 s21, s3  }
0x9d: {  	[timem:s7], [sflag:s22] =	dma.local [hbm:s5], s20  }
0x9e: {  	_ =	swait.ge [sflag:s22], s20  }
0x9f: {  	s4 =	ssub.s32 $0x0, s20;
	[sflag:s22] =	ssyncset.done $0x0  }
0xa0: {  	[sflag:s22] =	ssyncadd.s32 s4;
	_ =	sdelay $0x1  }
0xa1: {  	s23 =	simm.s32 $0x1B8B  }
0xa2: {  	_ =	swait.ge [sflag:s23], $0x1  }
0xa3: {  	[sflag:s23] =	ssyncset.done $0x0  }
0xa4: {  	s25 =	simm.s32 $0x1B8E;
	s24 =	sld [smem:$0x3FFE];
	[sflag:s23] =	ssyncadd.s32 $0xFFFFFFFF  }
0xa5: {  	s26 =	simm.s32 $execute0_lowered;
	[smem:$0x3FD2] =	sst s25  }
0xa6: {  	s5 =	sshll.u32 s26, $0x1;
	_ =	strace $0x80000046;
	[dreg:$0x1] =	wrdreg $0xFFFFFFFF  }
0xa7: {  	s28 =	simm.s32 $_size_execute0_lowered;
	s3 =	sadd.s32 s3, s5;
	[dreg:$0x0] =	wrdreg $0x0  }
0xa8: {  	s5 =	sshll.u32 s28, $0x1;
	[dreg:$0x2] =	wrdreg s3  }
0xa9: {  	[dreg:$0x3] =	wrdreg s5  }
0xaa: {  	[dreg:$0x4] =	wrdreg $0xC0  }
0xab: {  	_ =	task [dreg:s7], $0x5FFFF  }
0xac: {  	[dreg:$0x1] =	wrdreg $0xFFFFFFFF  }
0xad: {  	[dreg:$0x0] =	wrdreg $0x60  }
0xae: {  	[dreg:$0x2] =	wrdreg s2  }
0xaf: {  	[dreg:$0x3] =	wrdreg s24  }
0xb0: {  	[dreg:$0x4] =	wrdreg $0x9  }
0xb1: {  	_ =	task.clear_ibuf [dreg:s7], $0x5FFFF;
	_ =	strace $0x90000046  }
0xb2: {  	s29 =	simm.s32 $0x9;
	_ =	strace $0x80000048  }
0xb3: {  	_ =	swait.ge [sflag:s29], $0x1  }
0xb4: {  	[sflag:s29] =	ssyncadd.s32 $0xFFFFFFFF  }
0xb5: {  	_ =	strace $0x90000048  }
0xb6: {  	_ =	sfence  }
0xb7: {  	s30 =	sld [smem:$0x0];
	_ =	sdelay $0x2  }
0xb8: {  	s31 =	sshll.u32 s1, $0xD;
	s1 =	sshrl.u32 s1, $0x2  }
0xb9: {  	s3 =	sand.u32 $0x4000, s31;
	s1 =	sadd.s32 s1, s30  }
0xba: {  	s0 =	sor.u32 s3, s0;
	s1 =	sshll.u32 s1, $0x11  }
0xbb: {  	s0 =	sor.u32 s1, s0  }
0xbc: {  	s0 =	sadd.s32 $0x8F2B, s0  }
0xbd: {  	[sflag:s0] =	ssyncadd.remote.s32 $0x1  }
0xbe: {  	_ =	sfence.sel $0xFFFF  }
0xbf: {  	[dreg:$0x0] =	wrdreg $0xFFFFFFFF;
	(pc) =	sbr.abs _section_cstart, $3  }
0xc0: {  	[dreg:$0x1] =	wrdreg $0xFFFFFFFF  }
0xc1: {  	_ =	task.clear_ibuf [dreg:s7], $0x2FFFF;
	_ =	strace $0x9FFFFFFF  }
0xc2: {  	(tm) =	ssettm $0x7FFFFFFF  }
0xc3: {  	_ =	shalt  }
tec
execute0_lowered:
.L_overlay_start_1:
0x0: {  	(tag) =	ssettag $0x1  }
0x1: {  	s1 =	stileid.u32  }
0x2: {  	p0 =	sgt.u32 s1, $0xC  }
.Ltmp0:
0x3: {  	_ = 	snop;
	(pc) =	sbr.rel @p0 .LBB2_13-.Ltmp0, $4  }
0x4: {  	s5 =	rddreg [dreg:$0x0]  }
0x5: {  	s3 =	rddreg [dreg:$0x1];
	s2 =	simm.s32 $0x0  }
0x6: {  	[smem:$0x7FF] =	sst s2  }
0x7: {  	s0 =	rddreg [dreg:$0x2];
	_ =	strace $0x80000047  }
0x8: {  	s4 =	srdreg.scid  }
0x9: {  	s6 =	sshll.u32 s1, $0x1;
	s4 =	sand.u32 $0x1, s4  }
0xa: {  	s10 =	simm.s32 $0x5100;
	s6 =	sor.u32 s4, s6  }
0xb: {  	s9 =	ssub.s32 $0x2, s4;
	s7 =	sshll.u32 s6, $0x9;
	s6 =	smul.u32 $0x62, s6  }
0xc: {  	s11 =	simm.s32 $0x0;
	s31 =	sshrl.u32 s9, $0x1;
	s8 =	sadd.s32 s7, s3  }
0xd: {  	s5 =	sadd.s32 s5, s7;
	s7 =	simm.s32 $0x1;
	s30 =	sadd.s32 s6, s3  }
0xe: {  	v0 =	vlaneseq.u32;
	s3 =	sadd.s32 $0xC00, s8;
	s6 =	ssub.s32 s9, s31;
	s8 =	simm.s32 $0x1000  }
0xf: {  	v1 =	vimm.s32 $0x0;
	v2 =	vimm.s32 $0x1;
	v3 =	vmul.u32 $0x10, v0;
	s9 =	simm.s32 $0x4100;
	s4 =	sadd.s32 $0x4000, s30;
	s6 =	smax.u32 s6, $0x1  }
.LBB2_2:
0x10: {  	s12 =	simm.s32 $0x0  }
0x11: {  	[tilespmem:s12], [sflag:$0x1] =	stream.linear.gather [hbm4b:s5+s12], $0x1000, $0x38;
	[tilespmem:$0x5480] =	vst v63  }
0x12: {  	_ =	swait.ge [sflag:s7], $0x1000  }
0x13: {  	[sflag:s7] =	ssyncset.done $0x0  }
0x14: {  	s13 =	simm.s32 $0x0;
	s12 =	simm.s32 $0x40;
	[sflag:s7] =	ssyncadd.s32 $0xFFFFF000  }
.LBB2_3:
0x15: {  	p0 =	sne.s32 s12, $0xC3C0;
	[tilespmem:s13+$0x1000] =	vst v1;
	s13 =	smov.u32 s12;
	s12 =	sadd.s32 $0x40, s12  }
.Ltmp1:
0x16: {  	(pc) =	sbr.rel @p0 .LBB2_3-.Ltmp1, $2  }
0x17: {  	_ =	sdelay $0x2  }
0x18: {  	s13 =	sshra.s32 s13, $0x2  }
0x19: {  	[tilespmem:s13+$0x1000] =	vst v1;
	s13 =	simm.s32 $0x0;
	s12 =	simm.s32 $0x40  }
.LBB2_5:
0x1a: {  	p0 =	sne.s32 s12, $0x3FC0;
	v4 =	vld [tilespmem:s13+$0x0];
	_ =	sdelay $0x4  }
0x1b: {  	v4 =	vshra.s32 v4, $0x3  }
0x1c: {  	v4 =	vand.u32 $0xFFFFFFF0, v4  }
0x1d: {  	v4 =	vor.u32 v0, v4  }
.Ltmp2:
0x1e: {  	(pc) =	sbr.rel @p0 .LBB2_5-.Ltmp2, $2  }
0x1f: {  	_ =	sdelay $0x2  }
0x20: {  	s13 =	sshra.s32 s12, $0x2;
	s12 =	sadd.s32 $0x40, s12;
	[tilespmem:v4+s8+$0x0] =	vst.idx.add.s32.msk $0xffff, v2  }
0x21: {  	v4 =	vld [tilespmem:s13+$0x0];
	_ =	sdelay $0x4  }
0x22: {  	v4 =	vshra.s32 v4, $0x3  }
0x23: {  	v4 =	vand.u32 $0xFFFFFFF0, v4  }
0x24: {  	v4 =	vor.u32 v0, v4;
	_ =	sdelay $0x4  }
0x25: {  	s14 =	simm.s32 $0x0;
	[tilespmem:v4+s8+$0x0] =	vst.idx.add.s32.msk $0xffff, v2  }
0x26: {  	v4 =	vld [tilespmem:s14+$0x1000];
	_ =	sdelay $0x4  }
0x27: {  	(xrf0) =	vadd.scan.msk.s32 $0xffff, v4;
	_ =	sdelay $0x5  }
0x28: {  	v5, _, _ =	vpop (xrf0)  }
0x29: {  	s13 =	simm.s32 $0x0;
	(v2sf) =	vpush v5, $0xF  }
0x2a: {  	v4 =	vsub.s32 s13, v4  }
0x2b: {  	v4 =	vadd.s32 v5, v4  }
0x2c: {  	s12 =	simm.s32 $0x10;
	s15 =	simm.s32 $0x80;
	[tilespmem:s14+$0x1000] =	vst v4;
	s14 =	simm.s32 $0x0  }
.LBB2_7:
0x2d: {  	p0 =	sne.s32 s15, $0xC3C0;
	v4 =	vld [tilespmem:s12+$0x1000];
	_ =	sdelay $0x4  }
0x2e: {  	(xrf0) =	vadd.scan.msk.s32 $0xffff, v4;
	_ =	sdelay $0x5  }
.Ltmp3:
0x2f: {  	v5, _, _ =	vpop (xrf0);
	s16 =	spop (v2sf);
	(pc) =	sbr.rel @p0 .LBB2_7-.Ltmp3, $4  }
0x30: {  	(v2sf) =	vpush v5, $0xF;
	s14 =	sadd.s32 s14, s16  }
0x31: {  	v4 =	vsub.s32 s14, v4  }
0x32: {  	v4 =	vadd.s32 v5, v4  }
0x33: {  	[tilespmem:s12+$0x1000] =	vst v4;
	s12 =	sshra.s32 s15, $0x2;
	s15 =	sadd.s32 $0x40, s15  }
0x34: {  	v4 =	vld [tilespmem:s12+$0x1000];
	_ =	sdelay $0x4  }
0x35: {  	(xrf0) =	vadd.scan.msk.s32 $0xffff, v4;
	_ =	sdelay $0x5  }
0x36: {  	v5, _, _ =	vpop (xrf0)  }
0x37: {  	(v2sf) =	vpush v5, $0xF;
	_ =	sdelay $0x1  }
0x38: {  	v6 =	vmov s13  }
0x39: {  	v6 =	vshll.u32 v6, $0x4  }
0x3a: {  	v6 =	vor.u32 v3, v6;
	s28 =	spop (v2sf)  }
0x3b: {  	s13 =	sadd.s32 s14, s28  }
0x3c: {  	v4 =	vsub.s32 s13, v4  }
0x3d: {  	s29 =	simm.s32 $0x10;
	v4 =	vadd.s32 v5, v4  }
0x3e: {  	[tilespmem:s12+$0x1000] =	vst v4;
	v4 =	vmov s29  }
0x3f: {  	v5 =	vld.idx.msk [tilespmem:v6+s8+$0x0], $0xffff;
	v4 =	vshll.u32 v4, $0x4  }
0x40: {  	v4 =	vor.u32 v3, v4;
	_ =	sdelay $0x2  }
0x41: {  	s12 =	simm.s32 $0x5100  }
0x42: {  	s30 =	simm.s32 $0x20;
	[tilespmem:s12+$0x0] =	vst v5  }
0x43: {  	s13 =	simm.s32 $0x30;
	v5 =	vmov s30;
	v4 =	vld.idx.msk [tilespmem:v4+s8+$0x0], $0xffff;
	s31 =	spop (v2sf)  }
.LBB2_9:
0x44: {  	p0 =	sne.s32 s13, $0x300;
	v5 =	vshll.u32 v5, $0x4  }
0x45: {  	v6 =	vor.u32 v3, v5  }
.Ltmp4:
0x46: {  	(pc) =	sbr.rel @p0 .LBB2_9-.Ltmp4, $4  }
0x47: {  	_ = 	snop  }
0x48: {  	s12 =	sadd.s32 $0x10, s12  }
0x49: {  	[tilespmem:s12+$0x0] =	vst v4  }
0x4a: {  	v5 =	vmov s13;
	s13 =	sadd.s32 $0x10, s13;
	v4 =	vld.idx.msk [tilespmem:v6+s8+$0x0], $0xffff  }
0x4b: {  	v5 =	vshll.u32 v5, $0x4  }
0x4c: {  	v5 =	vor.u32 v3, v5;
	_ =	sdelay $0x2  }
0x4d: {  	s12 =	sadd.s32 $0x10, s12  }
0x4e: {  	[tilespmem:s12+$0x0] =	vst v4  }
0x4f: {  	v4 =	vld.idx.msk [tilespmem:v5+s8+$0x0], $0xffff;
	_ =	sdelay $0x3  }
0x50: {  	s12 =	sadd.s32 $0x10, s12  }
0x51: {  	[tilespmem:s12+$0x0] =	vst v4;
	s12 =	simm.s32 $0x0  }
0x52: {  	s13 =	simm.s32 $0x10;
	s14 =	simm.s32 $0x0;
	v4 =	vld [tilespmem:s12+$0x0]  }
.LBB2_11:
0x53: {  	p0 =	sne.s32 s13, $0xFF0;
	_ =	sdelay $0x3  }
0x54: {  	v5 =	vshra.s32 v4, $0x3;
	v4 =	vshll.u32 v4, $0xC  }
0x55: {  	v5 =	vand.u32 $0xFFFFFFF0, v5  }
0x56: {  	v5 =	vor.u32 v0, v5;
	_ =	sdelay $0x4  }
0x57: {  	v6 =	vld.idx.msk [tilespmem:v5+s8+$0x0], $0xffff;
	_ =	sdelay $0x4  }
.Ltmp5:
0x58: {  	(pc) =	sbr.rel @p0 .LBB2_11-.Ltmp5, $4  }
0x59: {  	v4 =	vadd.s32 s12, v4;
	s12 =	smov.u32 s13;
	v7 =	vadd.s32 $0x1, v6  }
0x5a: {  	v4 =	vadd.s32 v0, v4;
	[tilespmem:v5+s8+$0x0] =	vst.idx.msk $0xffff, v7  }
0x5b: {  	s14 =	sadd.s32 $0x10, s14;
	[tilespmem:v6+s9+$0x0] =	vst.idx.msk $0xffff, v4  }
0x5c: {  	s13 =	sadd.s32 $0x10, s13;
	v4 =	vld [tilespmem:s14+$0x0]  }
0x5d: {  	_ =	sdelay $0x3  }
0x5e: {  	v5 =	vshra.s32 v4, $0x3  }
0x5f: {  	v5 =	vand.u32 $0xFFFFFFF0, v5  }
0x60: {  	v5 =	vor.u32 v0, v5;
	_ =	sdelay $0x4  }
0x61: {  	v6 =	vld.idx.msk [tilespmem:v5+s8+$0x0], $0xffff;
	_ =	sdelay $0x4  }
0x62: {  	v4 =	vshll.u32 v4, $0xC  }
0x63: {  	v4 =	vadd.s32 s12, v4;
	v7 =	vadd.s32 $0x1, v6  }
0x64: {  	v4 =	vadd.s32 v0, v4;
	[tilespmem:v5+s8+$0x0] =	vst.idx.msk $0xffff, v7  }
0x65: {  	[tilespmem:v6+s9+$0x0] =	vst.idx.msk $0xffff, v4  }
0x66: {  	[hbm4b:s3+s2] =	stream.linear.scatter [tilespmem:s9], [sflag:$0x1], $0x1000, $0x38;
	[tilespmem:$0x5480] =	vst v63  }
0x67: {  	s11 =	sadd.s32 $0x1, s11;
	_ =	swait.ge [sflag:s7], $0x1000  }
0x68: {  	p0 =	sne.s32 s11, s6;
	[sflag:s7] =	ssyncset.done $0x0  }
.Ltmp6:
0x69: {  	[sflag:s7] =	ssyncadd.s32 $0xFFFFF000;
	(pc) =	sbr.rel @p0 .LBB2_2-.Ltmp6, $4  }
0x6a: {  	[hbm4b:s4+s2] =	stream.linear.scatter [tilespmem:s10], [sflag:$0x1], $0x310, $0x38;
	[tilespmem:$0x5480] =	vst v63  }
0x6b: {  	_ =	swait.ge [sflag:s7], $0x310  }
0x6c: {  	[sflag:s7] =	ssyncset.done $0x0  }
0x6d: {  	[sflag:s7] =	ssyncadd.s32 $0xFFFFFCF0  }
.LBB2_13:
0x6e: {  	_ =	sfence.sel $0x180000  }
0x6f: {  	[bflag:$0x0] =	sbarrier.arrive $0xFFFF  }
0x70: {  	p0 =	sne.s32 s1, $0x0;
	_ =	strace $0x90000047  }
0x71: {  	s0 =	sadd.s32 @!p0 $0x100000, s0;
	[bflag:$0x2] =	sbarrier.arrive $0xFFFF  }
0x72: {  	[sflag:s0] =	ssyncadd.tile.s32 @!p0 $0x1;
	_ =	shalt  }
.Lfunc_end2:
_tile_overlayer_lowered:
.L_overlay_start_2:
0x73: {  	(tag) =	ssettag $0x2  }
0x74: {  	s0 =	rddreg [dreg:$0x0];
	s2 =	stileid.u32  }
0x75: {  	s1 =	rddreg [dreg:$0x1];
	p0 =	sne.s32 s2, $0x0  }
0x76: {  	s3 =	rddreg [dreg:$0x2];
	[bflag:$0x3] =	sbarrier.arrive $0xFFFF;
	s2 =	simm.s32 @!p0 $0x1C01  }
0x77: {  	[timem:s3], [sflag:s2] =	dma.local @!p0 [hbm:s0], s1  }
0x78: {  	s0 =	simm.s32 @!p0 $0x1  }
0x79: {  	_ =	swait.ge @!p0 [sflag:s0], s1  }
0x7a: {  	s1 =	ssub.s32 @!p0 $0x0, s1;
	[sflag:s0] =	ssyncset.done @!p0 $0x0  }
0x7b: {  	[sflag:s0] =	ssyncadd.s32 @!p0 s1  }
0x7c: {  	[bflag:$0x3] =	sbarrier.arrive $0xFFFF  }
0x7d: {  	_ =	shalt  }

// kernel: _emb.7.cloned.1.call-start
scs
__scs_entry_jumppad:
0x0: {  	(pc) =	sbr.rel $0x88, $3  }
0x1: {  	(tag) =	ssettag $0x0;
	lr =	simm.s32 $0x1  }
0x2: {  	[smem:$0x3F9F] =	sst lr;
	_ =	strace $0xD0000000  }
0x3: {  	_ = 	snop  }
0x4: {  	_ = 	snop  }
0x5: {  	_ = 	snop  }
0x6: {  	_ = 	snop  }
0x7: {  	_ = 	snop  }
__scs_overlays_trampoline_lowered:
0x8: {  	[smem:$0x3FAE] =	sst s0  }
0x9: {  	[smem:$0x3FAF] =	sst s1  }
0xa: {  	[smem:$0x3FB0] =	sst s2  }
0xb: {  	[smem:$0x3FB1] =	sst s3  }
0xc: {  	[smem:$0x3FB2] =	sst s4  }
0xd: {  	[smem:$0x3FB3] =	sst s5  }
0xe: {  	[smem:$0x3FB4] =	sst s6  }
0xf: {  	[smem:$0x3FB5] =	sst s7  }
0x10: {  	[smem:$0x3FB6] =	sst s8  }
0x11: {  	[smem:$0x3FB7] =	sst s9;
	s0 =	simm.s32 @!p0 $0x0  }
0x12: {  	s1 =	sld [smem:$0x3F9D];
	s0 =	simm.s32 @p0 $0x1  }
0x13: {  	[smem:$0x3FB8] =	sst s0;
	s0 =	simm.s32 @!p1 $0x0  }
0x14: {  	s2 =	sld [smem:$0x3F9C];
	s0 =	simm.s32 @p1 $0x1  }
0x15: {  	[smem:$0x3FB9] =	sst s0;
	s0 =	simm.s32 @!p2 $0x0  }
0x16: {  	s3 =	sld [smem:$0x3FDB];
	s0 =	simm.s32 @p2 $0x1  }
0x17: {  	s4 =	simm.s32 $0x1BF5;
	[smem:$0x3FBB] =	sst s0  }
0x18: {  	s0 =	sld [smem:$0x3F9E];
	_ =	swait.ge [sflag:s4], $0x0  }
0x19: {  	s7 =	sld [smem:$0x3F9F]  }
0x1a: {  	s8 =	sadd.s32 $0xFFFFE003, lr  }
0x1b: {  	s9 =	sadd.s32 $0xFFFFFEF7, lr;
	s5 =	simm.s32 $0xFFFFFFFF;
	p2 =	slt.u32 s8, $0xFFFFF086  }
0x1c: {  	p1 =	slt.u32 s9, $0xF7A;
	s5 =	simm.s32 @!p2 $0x0  }
0x1d: {  	s5 =	simm.s32 @p1 $0x1;
	p0 =	seq.s32 s7, s2  }
0x1e: {  	s7 =	smul.u32 @!p0 $0xF7A, s2;
	p2 =	seq.s32 @!p0 s5, $0x0  }
0x1f: {  	s9 =	smul.u32 $0xF7A, s1;
	s8 =	simm.s32 @!p0 $0x1BF5;
	p2 =	por !p2, p0  }
0x20: {  	[sflag:s8] =	ssyncset.s32 @!p0 $0xFFFFF086;
	s6 =	sadd.s32 @!p0 s3, s7;
	s7 =	simm.s32 @!p0 $0x108  }
0x21: {  	s3 =	sadd.s32 s3, s9;
	s6 =	sadd.s32 @!p0 $0x88, s6;
	s7 =	simm.s32 @p2 $0x1082  }
0x22: {  	[simem:s7], [sflag:s8] =	dma.local @!p0 [hbm:s6], $0xF7A  }
0x23: {  	s9 =	sor.u32 $0xD0000000, s2;
	s6 =	simm.s32 $0x108;
	_ =	swait.ge @!p0 [sflag:s8], $0x0  }
0x24: {  	s3 =	sadd.s32 $0x88, s3;
	s6 =	simm.s32 @!p1 $0x1082;
	[sflag:s4] =	ssyncset.s32 $0xFFFFF086  }
0x25: {  	[simem:s6], [sflag:s4] =	dma.local [hbm:s3], $0xF7A  }
0x26: {  	[smem:$0x3F9F] =	sst s1;
	(tag) =	ssettag s2;
	_ =	strace s9  }
0x27: {  	s1 =	sld [smem:$0x3FAF]  }
0x28: {  	s2 =	sld [smem:$0x3FB0]  }
0x29: {  	s4 =	sld [smem:$0x3FB2]  }
0x2a: {  	p0 =	seq.s32 s5, $0x0;
	s5 =	sld [smem:$0x3FB3]  }
0x2b: {  	s6 =	sld [smem:$0x3FB4]  }
0x2c: {  	s7 =	sld [smem:$0x3FB5]  }
0x2d: {  	s3 =	simm.s32 $0x108;
	s8 =	sld [smem:$0x3FB6]  }
0x2e: {  	s3 =	simm.s32 @!p0 $0x1082;
	s9 =	sld [smem:$0x3FB7]  }
0x2f: {  	lr =	sadd.s32 s0, s3;
	s0 =	sld [smem:$0x3FAE]  }
0x30: {  	s3 =	sld [smem:$0x3FB1]  }
0x31: {  	[smem:$0x3FBA] =	sst s10  }
0x32: {  	s10 =	sld [smem:$0x3FB8];
	_ =	sdelay $0x3  }
0x33: {  	p0 =	seq.s32 s10, $0x1;
	s10 =	sld [smem:$0x3FBA];
	_ =	sdelay $0x3  }
0x34: {  	[smem:$0x3FBA] =	sst s10  }
0x35: {  	s10 =	sld [smem:$0x3FB9];
	_ =	sdelay $0x3  }
0x36: {  	p1 =	seq.s32 s10, $0x1;
	s10 =	sld [smem:$0x3FBA];
	_ =	sdelay $0x3  }
0x37: {  	[smem:$0x3FBA] =	sst s10  }
0x38: {  	s10 =	sld [smem:$0x3FBB]  }
0x39: {  	_ = 	snop;
	(pc) =	sbr.ind lr, $3  }
0x3a: {  	_ = 	snop  }
0x3b: {  	_ = 	snop  }
0x3c: {  	p2 =	seq.s32 s10, $0x1;
	s10 =	sld [smem:$0x3FBA]  }
0x3d: {  	_ =	shalt  }
0x3e: {  	_ =	shalt  }
0x3f: {  	_ =	shalt  }
0x40: {  	_ =	shalt  }
0x41: {  	_ =	shalt  }
0x42: {  	_ =	shalt  }
0x43: {  	_ =	shalt  }
0x44: {  	_ =	shalt  }
0x45: {  	_ =	shalt  }
0x46: {  	_ =	shalt  }
0x47: {  	_ =	shalt  }
0x48: {  	_ =	shalt  }
0x49: {  	_ =	shalt  }
0x4a: {  	_ =	shalt  }
0x4b: {  	_ =	shalt  }
0x4c: {  	_ =	shalt  }
0x4d: {  	_ =	shalt  }
0x4e: {  	_ =	shalt  }
0x4f: {  	_ =	shalt  }
0x50: {  	_ =	shalt  }
0x51: {  	_ =	shalt  }
0x52: {  	_ =	shalt  }
0x53: {  	_ =	shalt  }
0x54: {  	_ =	shalt  }
0x55: {  	_ =	shalt  }
0x56: {  	_ =	shalt  }
0x57: {  	_ =	shalt  }
0x58: {  	_ =	shalt  }
0x59: {  	_ =	shalt  }
0x5a: {  	_ =	shalt  }
0x5b: {  	_ =	shalt  }
0x5c: {  	_ =	shalt  }
0x5d: {  	_ =	shalt  }
0x5e: {  	_ =	shalt  }
0x5f: {  	_ =	shalt  }
0x60: {  	_ =	shalt  }
0x61: {  	_ =	shalt  }
0x62: {  	_ =	shalt  }
0x63: {  	_ =	shalt  }
0x64: {  	_ =	shalt  }
0x65: {  	_ =	shalt  }
0x66: {  	_ =	shalt  }
0x67: {  	_ =	shalt  }
0x68: {  	_ =	shalt  }
0x69: {  	_ =	shalt  }
0x6a: {  	_ =	shalt  }
0x6b: {  	_ =	shalt  }
0x6c: {  	_ =	shalt  }
0x6d: {  	_ =	shalt  }
0x6e: {  	_ =	shalt  }
0x6f: {  	_ =	shalt  }
0x70: {  	_ =	shalt  }
0x71: {  	_ =	shalt  }
0x72: {  	_ =	shalt  }
0x73: {  	_ =	shalt  }
0x74: {  	_ =	shalt  }
0x75: {  	_ =	shalt  }
0x76: {  	_ =	shalt  }
0x77: {  	_ =	shalt  }
0x78: {  	_ =	shalt  }
0x79: {  	_ =	shalt  }
0x7a: {  	_ =	shalt  }
0x7b: {  	_ =	shalt  }
0x7c: {  	_ =	shalt  }
0x7d: {  	_ =	shalt  }
0x7e: {  	_ =	shalt  }
0x7f: {  	_ =	shalt  }
0x80: {  	_ =	shalt  }
0x81: {  	_ =	shalt  }
0x82: {  	_ =	shalt  }
0x83: {  	_ =	shalt  }
0x84: {  	_ =	shalt  }
0x85: {  	_ =	shalt  }
0x86: {  	_ =	shalt  }
0x87: {  	_ =	shalt  }
.Lfunc_end0:
.L_simem_size_0:
called_computation.1_lowered:
.L_overlay_start_0:
0x88: {  	s2 =	sld [smem:$0x3FD9]  }
0x89: {  	s3 =	sld [smem:$0x3FFE];
	_ =	sdelay $0x1  }
0x8a: {  	s1 =	srdreg.scid  }
0x8b: {  	s0 =	sand.u32 $0x1, s1  }
0x8c: {  	s17 =	sshll.u32 s0, $0xA;
	s2 =	sadd.s32 s3, s2  }
0x8d: {  	s2 =	sadd.s32 s2, s17  }
0x8e: {  	[smem:$0x3FC6] =	sst s2  }
0x8f: {  	_ = 	snop  }
0x90: {  	s2 =	sld [smem:$0x3FC8]  }
0x91: {  	s18 =	sld [smem:$0x3FD0];
	(tm) =	ssettm $0x1  }
0x92: {  	s4 =	sld [smem:$0x3FFB];
	_ =	sdelay $0x3  }
0x93: {  	_ =	strace s4  }
0x94: {  	s4 =	sld [smem:$0x3FFC];
	_ =	sdelay $0x3  }
0x95: {  	_ =	strace s4  }
0x96: {  	s4 =	sld [smem:$0x3FFD];
	_ =	sdelay $0x3  }
0x97: {  	_ =	strace s4  }
0x98: {  	_ =	strace $0x8FFFFFFF  }
0x99: {  	s19 =	sld [smem:$0x3FDB];
	_ =	sdelay $0x1  }
0x9a: {  	s5 =	simm.s32 $_scs_section_size  }
0x9b: {  	s6 =	simm.s32 $_size__tile_overlayer_lowered;
	s7 =	simm.s32 $_tile_overlayer_lowered  }
0x9c: {  	s22 =	simm.s32 $0x1BFF;
	s21 =	sshll.u32 s7, $0x1;
	s4 =	sadd.s32 s5, s19  }
0x9d: {  	s8 =	simm.s32 $0x0;
	s20 =	sshll.u32 s6, $0x1;
	s6 =	sadd.s32 s21, s4  }
0x9e: {  	[timem:s8], [sflag:s22] =	dma.local [hbm:s6], s20  }
0x9f: {  	_ =	swait.ge [sflag:s22], s20  }
0xa0: {  	s5 =	ssub.s32 $0x0, s20;
	[sflag:s22] =	ssyncset.done $0x0  }
0xa1: {  	[sflag:s22] =	ssyncadd.s32 s5;
	_ =	sdelay $0x1  }
0xa2: {  	s23 =	simm.s32 $0x1B8B  }
0xa3: {  	_ =	swait.ge [sflag:s23], $0x1  }
0xa4: {  	[sflag:s23] =	ssyncset.done $0x0  }
0xa5: {  	s25 =	simm.s32 $0x1B8E;
	s24 =	sld [smem:$0x3FFE];
	[sflag:s23] =	ssyncadd.s32 $0xFFFFFFFF  }
0xa6: {  	s26 =	simm.s32 $execute0_lowered;
	[smem:$0x3FD2] =	sst s25  }
0xa7: {  	s6 =	sshll.u32 s26, $0x1;
	_ =	strace $0x80000049;
	[dreg:$0x1] =	wrdreg $0xFFFFFFFF  }
0xa8: {  	s28 =	simm.s32 $_size_execute0_lowered;
	s4 =	sadd.s32 s4, s6;
	[dreg:$0x0] =	wrdreg $0x0  }
0xa9: {  	s6 =	sshll.u32 s28, $0x1;
	[dreg:$0x2] =	wrdreg s4  }
0xaa: {  	[dreg:$0x3] =	wrdreg s6  }
0xab: {  	[dreg:$0x4] =	wrdreg $0xC0  }
0xac: {  	_ =	task [dreg:s8], $0x5FFFF  }
0xad: {  	[dreg:$0x1] =	wrdreg $0xFFFFFFFF  }
0xae: {  	[dreg:$0x0] =	wrdreg $0x60  }
0xaf: {  	[dreg:$0x2] =	wrdreg s24  }
0xb0: {  	[dreg:$0x3] =	wrdreg s2  }
0xb1: {  	[dreg:$0x4] =	wrdreg s18  }
0xb2: {  	[dreg:$0x5] =	wrdreg $0x9  }
0xb3: {  	_ =	task.clear_ibuf [dreg:s8], $0x6FFFF;
	_ =	strace $0x90000049  }
0xb4: {  	s29 =	simm.s32 $0x9;
	_ =	strace $0x8000004B  }
0xb5: {  	_ =	swait.ge [sflag:s29], $0x1  }
0xb6: {  	[sflag:s29] =	ssyncadd.s32 $0xFFFFFFFF  }
0xb7: {  	_ =	strace $0x9000004B  }
0xb8: {  	_ =	sfence  }
0xb9: {  	s30 =	sld [smem:$0x0];
	_ =	sdelay $0x2  }
0xba: {  	s31 =	sshll.u32 s1, $0xD;
	s1 =	sshrl.u32 s1, $0x2  }
0xbb: {  	s3 =	sand.u32 $0x4000, s31;
	s1 =	sadd.s32 s1, s30  }
0xbc: {  	s0 =	sor.u32 s3, s0;
	s1 =	sshll.u32 s1, $0x11  }
0xbd: {  	s0 =	sor.u32 s1, s0  }
0xbe: {  	s0 =	sadd.s32 $0x8F2B, s0  }
0xbf: {  	[sflag:s0] =	ssyncadd.remote.s32 $0x1  }
0xc0: {  	_ =	sfence.sel $0xFFFF  }
0xc1: {  	[dreg:$0x0] =	wrdreg $0xFFFFFFFF;
	(pc) =	sbr.abs _section_cstart, $3  }
0xc2: {  	[dreg:$0x1] =	wrdreg $0xFFFFFFFF  }
0xc3: {  	_ =	task.clear_ibuf [dreg:s8], $0x2FFFF;
	_ =	strace $0x9FFFFFFF  }
0xc4: {  	(tm) =	ssettm $0x7FFFFFFF  }
0xc5: {  	_ =	shalt  }
tec
execute0_lowered:
.L_overlay_start_1:
0x0: {  	(tag) =	ssettag $0x1  }
0x1: {  	v0 =	vimm.s32 $0x1780  }
0x2: {  	vm14 =	vcmask $0x300;
	vm13 =	vcmask $0x704;
	vm12 =	vcmask $0xB08  }
0x3: {  	vm11 =	vcmask $0xF0C;
	vm10 =	vcmask $0x1310;
	vm9 =	vcmask $0x1714  }
0x4: {  	vm8 =	vcmask $0x1B18;
	vm7 =	vcmask $0x1F1C;
	vm6 =	vcmask $0x2320  }
0x5: {  	vm5 =	vcmask $0x2724;
	vm4 =	vcmask $0x2B28;
	vm3 =	vcmask $0x2F2C  }
0x6: {  	vm2 =	vcmask $0x3330;
	vm1 =	vcmask $0x3734;
	vm0 =	vcmask $0x3B38  }
0x7: {  	v1 =	vimm.s32 $0x3F80;
	v2 =	vimm.s32 $0xB80;
	v3 =	vimm.s32 $0x1B80  }
0x8: {  	v0 =	vsel vm14, $0x0, v0;
	v1 =	vsel vm14, $0x2800, v1;
	v2 =	vsel vm14, $0x0, v2  }
0x9: {  	s0 =	rddreg [dreg:$0x0];
	v3 =	vsel vm14, $0x1000, v3;
	v0 =	vsel vm13, $0x80, v0;
	v1 =	vsel vm13, $0x2880, v1  }
0xa: {  	s1 =	rddreg [dreg:$0x1];
	v2 =	vsel vm13, $0x80, v2;
	v3 =	vsel vm13, $0x1080, v3;
	v0 =	vsel vm12, $0x100, v0  }
0xb: {  	s2 =	rddreg [dreg:$0x2];
	s4 =	simm.s32 $0x0;
	v1 =	vsel vm12, $0x2900, v1;
	v2 =	vsel vm12, $0x100, v2;
	v3 =	vsel vm12, $0x1100, v3  }
0xc: {  	s3 =	srdreg.scid;
	s14 =	stileid.u32;
	s18 =	simm.s32 $0x4;
	v0 =	vsel vm11, $0x180, v0;
	v1 =	vsel vm11, $0x2980, v1;
	v2 =	vsel vm11, $0x180, v2  }
0xd: {  	s19 =	simm.s32 $0x3;
	s22 =	simm.s32 $0x7100;
	[smem:$0x7FF] =	sst s4;
	v3 =	vsel vm11, $0x1180, v3;
	v0 =	vsel vm10, $0x200, v0;
	v1 =	vsel vm10, $0x2A00, v1  }
0xe: {  	s3 =	sand.u32 $0x1, s3;
	s5 =	sshll.u32 s14, $0x1;
	s9 =	sadd.s32 $0x4000, s0;
	v2 =	vsel vm10, $0x200, v2;
	v3 =	vsel vm10, $0x1200, v3;
	v0 =	vsel vm9, $0x280, v0  }
0xf: {  	p1 =	sgt.u32 s14, $0xC;
	s6 =	ssub.s32 $0x2, s3;
	s3 =	sor.u32 s3, s5;
	v1 =	vsel vm9, $0x2A80, v1;
	v2 =	vsel vm9, $0x280, v2;
	v3 =	vsel vm9, $0x1280, v3  }
0x10: {  	p2 =	slt.u32 s14, $0xD;
	_ =	strace $0x8000004A;
	s8 =	smul.u32 $0x6400, s3;
	v0 =	vsel vm8, $0x300, v0;
	v1 =	vsel vm8, $0x2B00, v1;
	v2 =	vsel vm8, $0x300, v2  }
0x11: {  	s5 =	sadd.s32 $0xC00, s0;
	s7 =	sshrl.u32 s6, $0x1;
	s23 =	smul.u32 $0xC80, s3;
	v3 =	vsel vm8, $0x1300, v3;
	v0 =	vsel vm7, $0x380, v0;
	v1 =	vsel vm7, $0x2B80, v1  }
0x12: {  	s11 =	smin.u32 s3, $0x19;
	s6 =	ssub.s32 s6, s7;
	s7 =	smul.u32 $0x5, s3;
	v2 =	vsel vm7, $0x380, v2;
	v3 =	vsel vm7, $0x1380, v3;
	v0 =	vsel vm6, $0x1400, v0  }
0x13: {  	[dreg:$0x4] =	wrdreg s9;
	p0 =	seq.s32 s3, $0x1F;
	s25 =	smul.u32 $0x30E000, s11;
	v1 =	vsel vm6, $0x3C00, v1;
	v2 =	vsel vm6, $0x800, v2;
	v3 =	vsel vm6, $0x1800, v3  }
0x14: {  	s29 =	sshll.u32 s11, $0x9;
	s12 =	smul.u32 $0xC40, s11;
	s16 =	sshll.u32 s11, $0x5;
	v0 =	vsel vm5, $0x1480, v0;
	v1 =	vsel vm5, $0x3C80, v1;
	v2 =	vsel vm5, $0x880, v2  }
0x15: {  	s10 =	sshrl.u32 s8, $0x3;
	s8 =	sadd.s32 $0xE00, s0;
	s9 =	sadd.s32 s1, s23;
	v3 =	vsel vm5, $0x1880, v3;
	v0 =	vsel vm4, $0x1500, v0;
	v1 =	vsel vm4, $0x3D00, v1  }
0x16: {  	s31 =	smax.u32 s6, $0x1;
	s24 =	sadd.s32 s1, s10;
	[dreg:$0x5] =	wrdreg s9;
	v2 =	vsel vm4, $0x900, v2;
	v3 =	vsel vm4, $0x1900, v3;
	v0 =	vsel vm3, $0x1580, v0  }
0x17: {  	s13 =	sadd.s32 s5, s29;
	[dreg:$0xa] =	wrdreg s31;
	s26 =	sadd.s32 $0x280, s24;
	v1 =	vsel vm3, $0x3D80, v1;
	v2 =	vsel vm3, $0x980, v2;
	v3 =	vsel vm3, $0x1980, v3  }
0x18: {  	s10 =	sshrl.u32 s25, $0x3;
	s28 =	sadd.s32 $0x500, s24;
	[dreg:$0x6] =	wrdreg s26;
	v0 =	vsel vm2, $0x1600, v0;
	v1 =	vsel vm2, $0x3E00, v1;
	v2 =	vsel vm2, $0xA00, v2  }
0x19: {  	s0 =	sadd.s32 $0x780, s24;
	s30 =	sadd.s32 s1, s10;
	[dreg:$0x7] =	wrdreg s28;
	v3 =	vsel vm2, $0x1A00, v3;
	v0 =	vsel vm1, $0x1680, v0;
	v1 =	vsel vm1, $0x3E80, v1  }
0x1a: {  	s15 =	sshrl.u32 s12, $0x2;
	[dreg:$0x8] =	wrdreg s0;
	s0 =	sadd.s32 $0x18600, s30;
	v2 =	vsel vm1, $0xA80, v2;
	v3 =	vsel vm1, $0x1A80, v3;
	v0 =	vsel vm0, $0x1700, v0  }
0x1b: {  	s25 =	simm.s32 $0x0;
	s24 =	simm.s32 $0x1B100;
	[dreg:$0x9] =	wrdreg s0;
	v1 =	vsel vm0, $0x3F00, v1;
	v2 =	vsel vm0, $0xB00, v2;
	v3 =	vsel vm0, $0x1B00, v3  }
.LBB2_1:
0x1c: {  	s0 =	rddreg [dreg:$0x4]  }
0x1d: {  	[tilespmem:s4], [sflag:$0x4] =	stream.linear.gather [hbm4b:s0+s4], $0x4FA0, $0x38;
	[tilespmem:$0x1F100] =	vst v63  }
0x1e: {  	_ =	swait.ge [sflag:s18], $0x4FA0  }
0x1f: {  	s3 =	simm.s32 $0x10;
	s9 =	sadd.s32 $0x0, s5;
	[sflag:s18] =	ssyncset.done $0x0  }
0x20: {  	s6 =	simm.s32 $0x5100;
	s0 =	simm.s32 $0x5000;
	[sflag:s18] =	ssyncadd.s32 $0xFFFFB060  }
.LBB2_2:
0x21: {  	[tilespmem:s0], [sflag:$0x3] =	stream.linear.gather [hbm4b:s9+s4], $0x80, $0x38;
	[tilespmem:$0x1F100] =	vst v63  }
0x22: {  	s9 =	smov.u32 s3;
	s0 =	smov.u32 s6;
	p3 =	sne.s32 s3, $0x1F0  }
.Ltmp0:
0x23: {  	s3 =	sadd.s32 $0x10, s3;
	(pc) =	sbr.rel @p3 .LBB2_2-.Ltmp0, $2  }
0x24: {  	_ =	sdelay $0x2  }
0x25: {  	s6 =	sadd.s32 $0x100, s6;
	s9 =	sadd.s32 s9, s5  }
0x26: {  	[tilespmem:s0], [sflag:$0x3] =	stream.linear.gather [hbm4b:s9+s4], $0x80, $0x38;
	[tilespmem:$0x1F100] =	vst v63  }
0x27: {  	s0 =	simm.s32 $0x5080  }
0x28: {  	s3 =	simm.s32 $0x10;
	s9 =	sadd.s32 $0x0, s8;
	s6 =	simm.s32 $0x5180  }
.LBB2_4:
0x29: {  	[tilespmem:s0], [sflag:$0x3] =	stream.linear.gather [hbm4b:s9+s4], $0x80, $0x38;
	[tilespmem:$0x1F100] =	vst v63  }
0x2a: {  	s9 =	smov.u32 s3;
	s0 =	smov.u32 s6;
	p3 =	sne.s32 s3, $0x1F0  }
.Ltmp1:
0x2b: {  	s3 =	sadd.s32 $0x10, s3;
	(pc) =	sbr.rel @p3 .LBB2_4-.Ltmp1, $2  }
0x2c: {  	_ =	sdelay $0x2  }
0x2d: {  	s6 =	sadd.s32 $0x100, s6;
	s9 =	sadd.s32 s9, s8  }
0x2e: {  	[tilespmem:s0], [sflag:$0x3] =	stream.linear.gather [hbm4b:s9+s4], $0x80, $0x38;
	[tilespmem:$0x1F100] =	vst v63  }
0x2f: {  	_ =	swait.ge [sflag:s19], $0x1000  }
0x30: {  	s3 =	simm.s32 $0x1400;
	s6 =	simm.s32 $0xC3800;
	[sflag:s19] =	ssyncset.done $0x0  }
0x31: {  	s0 =	simm.s32 @!p0 $0x1400;
	s31 =	rddreg [dreg:$0x5];
	[sflag:s19] =	ssyncadd.s32 $0xFFFFF000  }
0x32: {  	[tilespmem:s22], [sflag:$0x1] =	stream.strided.gather [hbm4b:s31+s3], $0x5000, s6, s3, $0x38;
	[tilespmem:$0x1F100] =	vst v63  }
0x33: {  	s9 =	rddreg [dreg:$0x6];
	s3 =	simm.s32 @!p0 $0xC3800;
	s6 =	simm.s32 @!p0 $0xC100  }
0x34: {  	[tilespmem:s6], [sflag:$0x1] =	stream.strided.gather @!p0 [hbm4b:s9+s0], $0x5000, s3, s0, $0x38;
	[tilespmem:$0x1F100] =	vst v63  }
.Ltmp2:
0x35: {  	_ = 	snop;
	(pc) =	sbr.rel .LBB2_6-.Ltmp2, $4  }
0x36: {  	s26 =	simm.s32 $0x0;
	s6 =	simm.s32 @!p0 $0x11100;
	s9 =	rddreg [dreg:$0x7]  }
0x37: {  	[tilespmem:s6], [sflag:$0x1] =	stream.strided.gather @!p0 [hbm4b:s9+s0], $0x5000, s3, s0, $0x38;
	[tilespmem:$0x1F100] =	vst v63  }
0x38: {  	s29 =	simm.s32 $0x0;
	s6 =	simm.s32 @!p0 $0x16100;
	s9 =	rddreg [dreg:$0x8]  }
0x39: {  	[tilespmem:s6], [sflag:$0x1] =	stream.strided.gather @!p0 [hbm4b:s9+s0], $0x5000, s3, s0, $0x38;
	[tilespmem:$0x1F100] =	vst v63  }
.LBB2_12:
0x3a: {  	s28 =	smov.u32 s20  }
.LBB2_17:
0x3b: {  	s6 =	sadd.s32 s12, s23;
	[tilespmem:s17+$0x1D110] =	vst @p3 v6  }
0x3c: {  	s9 =	sadd.s32 @p3 $0x1D100, s17;
	[tilespmem:s17+$0x1D100] =	vst @p3 v7;
	s6 =	sadd.s32 s21, s6  }
0x3d: {  	[hbm4b:s11+s4] =	stream.linear.scatter @p3 [tilespmem:s9], [sflag:$0x2], $0x20, $0x38;
	[tilespmem:$0x1F100] =	vst v63  }
0x3e: {  	v6 =	vld [tilespmem:s6+$0x0];
	_ =	sdelay $0x4  }
0x3f: {  	(v2sf) =	vpush v6, $0x0;
	_ =	sdelay $0xe  }
0x40: {  	s14 =	spop (v2sf)  }
0x41: {  	s17 =	sshra.s32 s14, $0xC  }
0x42: {  	s3 =	sadd.s32 s3, s17  }
0x43: {  	v62 =	vmov s3  }
0x44: {  	v63 =	vshll.u32 v62, $0x3  }
0x45: {  	v7 =	vand.u32 $0xFFFFFC00, v63  }
0x46: {  	v6 =	vand.u32 $0x7F, v62;
	v5 =	vadd.s32 v5, v7  }
0x47: {  	v4 =	vadd.s32 v4, v7;
	v5 =	vor.u32 v6, v5  }
0x48: {  	v4 =	vor.u32 v6, v4;
	_ =	sdelay $0x3  }
0x49: {  	p3 =	slt.s32 s28, $0x40;
	v5 =	vld.idx.msk [tilespmem:v5+s22+$0x0], $0xffff  }
0x4a: {  	s6 =	simm.s32 @!p3 $0x2;
	s21 =	sand.u32 $0xFFF, s14;
	v4 =	vld.idx.msk [tilespmem:v4+s22+$0x0], $0xffff  }
0x4b: {  	s3 =	smul.u32 $0x340, s21;
	_ =	swait.ge @!p3 [sflag:s6], $0x20  }
0x4c: {  	[sflag:s6] =	ssyncset.done @!p3 $0x0  }
0x4d: {  	s23 =	sand.u32 $0x1F80, s10;
	s0 =	sadd.s32 s0, s3;
	[sflag:s6] =	ssyncadd.s32 @!p3 $0xFFFFFFE0  }
0x4e: {  	s0 =	sshrl.u32 s0, $0x3;
	[tilespmem:s23+$0x1D110] =	vst v5  }
0x4f: {  	s28 =	sadd.s32 $0x1D100, s23;
	s0 =	sadd.s32 s2, s0;
	[tilespmem:s23+$0x1D100] =	vst v4  }
0x50: {  	[hbm4b:s0+s4] =	stream.linear.scatter [tilespmem:s28], [sflag:$0x2], $0x20, $0x38;
	[tilespmem:$0x1F100] =	vst v63  }
.LBB2_18:
0x51: {  	s0 =	sadd.s32 $0x4, s29  }
0x52: {  	s3 =	smulhi.u32 $0xCCCCCCCD, s0;
	_ =	sdelay $0x1  }
0x53: {  	s3 =	sshrl.u32 s3, $0x2  }
0x54: {  	s3 =	smul.u32 $0x5, s3;
	_ =	sdelay $0x1  }
0x55: {  	s3 =	ssub.s32 s0, s3  }
0x56: {  	p3 =	sgt.u32 s29, $0x7D;
	s3 =	sadd.s32 s7, s3  }
0x57: {  	p4 =	sgt.u32 @!p3 s3, $0x9B  }
0x58: {  	p3 =	por p4, p3  }
0x59: {  	s0 =	smul.u32 @!p3 $0xCD, s0;
	_ =	sdelay $0x1  }
0x5a: {  	s0 =	sshrl.u32 @!p3 s0, $0xA  }
0x5b: {  	s3 =	smul.u32 @!p3 $0x1400, s3;
	s0 =	sand.u32 @!p3 $0x3F, s0  }
0x5c: {  	s6 =	sand.u32 @!p3 $0x3, s29;
	s0 =	smul.u32 @!p3 $0x30E000, s0  }
0x5d: {  	s6 =	smul.u32 @!p3 $0x14000, s6  }
0x5e: {  	s9 =	simm.s32 @!p3 $0xC3800;
	s0 =	sadd.s32 @!p3 s3, s0  }
0x5f: {  	s29 =	sadd.s32 $0x1, s29;
	s3 =	sshrl.u32 @!p3 s6, $0x2;
	s0 =	sshrl.u32 @!p3 s0, $0x3  }
0x60: {  	s6 =	simm.s32 @!p3 $0x1400;
	s3 =	sadd.s32 @!p3 $0x7100, s3;
	s0 =	sadd.s32 @!p3 s1, s0  }
0x61: {  	[tilespmem:s3], [sflag:$0x1] =	stream.strided.gather @!p3 [hbm4b:s0+s6], $0x5000, s9, s6, $0x38;
	[tilespmem:$0x1F100] =	vst v63  }
0x62: {  	p3 =	sne.s32 s29, $0x82  }
.Ltmp3:
0x63: {  	_ = 	snop;
	(pc) =	sbr.rel @!p3 .LBB2_19-.Ltmp3, $1  }
0x64: {  	_ =	sdelay $0x3  }
.LBB2_6:
0x65: {  	s0 =	smul.u32 $0xCD, s29;
	_ =	sdelay $0x1  }
0x66: {  	s0 =	sshrl.u32 s0, $0xA  }
0x67: {  	s0 =	sand.u32 $0x3F, s0  }
0x68: {  	s3 =	smul.u32 $0x5, s0;
	_ =	sdelay $0x1  }
0x69: {  	p3 =	seq.s32 s29, $0x0;
	s3 =	ssub.s32 s29, s3  }
0x6a: {  	s6 =	sand.u32 @!p3 $0xFF, s3  }
0x6b: {  	p4 =	sne.s32 @!p3 s6, $0x0  }
0x6c: {  	p3 =	por p3, p4  }
0x6d: {  	p4 =	sgt.u32 @!p3 s29, $0x7C  }
0x6e: {  	p4 =	por p3, p4  }
.Ltmp4:
0x6f: {  	_ = 	snop;
	(pc) =	sbr.rel @p4 .LBB2_10-.Ltmp4, $4  }
0x70: {  	s6 =	simm.s32 @!p3 $0x3  }
0x71: {  	_ =	swait.ge @!p3 [sflag:s6], $0x1000  }
0x72: {  	[sflag:s6] =	ssyncset.done @!p3 $0x0  }
0x73: {  	s20 =	smov.u32 s26;
	[sflag:s6] =	ssyncadd.s32 @!p3 $0xFFFFF000  }
0x74: {  	s6 =	smulhi.u32 $0xCCCCCCCD, s29;
	_ =	sdelay $0x1  }
0x75: {  	s6 =	sxor.u32 $0xFFFFFFFF, s6  }
0x76: {  	s9 =	sshll.u32 s0, $0x9;
	s6 =	sshll.u32 s6, $0x5  }
0x77: {  	s9 =	sadd.s32 s5, s9;
	s6 =	sand.u32 $0x80, s6  }
0x78: {  	s9 =	sadd.s32 $0x200, s9;
	s6 =	sor.u32 $0x5000, s6  }
0x79: {  	s10 =	simm.s32 $0x10;
	s12 =	sadd.s32 $0x0, s9;
	s11 =	sadd.s32 $0x100, s6  }
.LBB2_8:
0x7a: {  	[tilespmem:s6], [sflag:$0x3] =	stream.linear.gather [hbm4b:s12+s4], $0x80, $0x38;
	[tilespmem:$0x1F100] =	vst v63  }
0x7b: {  	s12 =	smov.u32 s10;
	s6 =	smov.u32 s11;
	p3 =	sne.s32 s10, $0x1F0  }
.Ltmp5:
0x7c: {  	s10 =	sadd.s32 $0x10, s10;
	(pc) =	sbr.rel @p3 .LBB2_8-.Ltmp5, $2  }
0x7d: {  	_ =	sdelay $0x2  }
0x7e: {  	s11 =	sadd.s32 $0x100, s11;
	s12 =	sadd.s32 s12, s9  }
0x7f: {  	[tilespmem:s6], [sflag:$0x3] =	stream.linear.gather [hbm4b:s12+s4], $0x80, $0x38;
	[tilespmem:$0x1F100] =	vst v63  }
.LBB2_10:
0x80: {  	s3 =	sand.u32 $0xFF, s3  }
0x81: {  	s3 =	sadd.s32 s3, s7  }
0x82: {  	s6 =	smul.u32 $0xC40, s0;
	p3 =	sgt.u32 s3, $0x9B  }
0x83: {  	s10 =	smul.u32 $0x14, s3;
	s9 =	simm.s32 @!p3 $0x1  }
0x84: {  	_ =	swait.ge @!p3 [sflag:s9], $0x5000  }
0x85: {  	s6 =	sshrl.u32 s6, $0x2;
	s10 =	sshrl.u32 s10, $0x2;
	[sflag:s9] =	ssyncset.done @!p3 $0x0  }
0x86: {  	s6 =	sadd.s32 s10, s6;
	[sflag:s9] =	ssyncadd.s32 @!p3 $0xFFFFB000  }
0x87: {  	v4 =	vld [tilespmem:s6+$0x0]  }
0x88: {  	v5 =	vld [tilespmem:s6+$0x5];
	_ =	sdelay $0x3  }
0x89: {  	(v2sf) =	vpush v4, $0x0  }
0x8a: {  	(v2sf) =	vpush v5, $0x0;
	_ =	sdelay $0xd  }
0x8b: {  	s30 =	spop (v2sf)  }
0x8c: {  	p3 =	slt.u32 s3, $0x9C;
	s31 =	spop (v2sf)  }
0x8d: {  	s30 =	simm.s32 @!p3 $0x0;
	s31 =	simm.s32 @!p3 $0x0  }
0x8e: {  	p3 =	sge.s32 s30, s31  }
.Ltmp6:
0x8f: {  	_ = 	snop;
	(pc) =	sbr.rel @p3 .LBB2_18-.Ltmp6, $2  }
0x90: {  	_ =	sdelay $0x2  }
0x91: {  	s26 =	smov.u32 s20  }
0x92: {  	s6 =	sand.u32 $0x3, s29  }
0x93: {  	v4 =	vmov s6;
	s6 =	sadd.s32 $0x1, s30  }
0x94: {  	p4 =	sne.s32 s31, s6  }
.Ltmp7:
0x95: {  	v4 =	vmul.u32 $0x5000, v4;
	(pc) =	sbr.rel @!p4 .LBB2_12-.Ltmp7, $4  }
0x96: {  	s9 =	sshll.u32 s0, $0x7;
	s3 =	smul.u32 $0xFFFFFD80, s3;
	s28 =	sadd.s32 s20, s31  }
0x97: {  	s0 =	sshll.u32 s0, $0x5;
	s10 =	sshll.u32 s20, $0x7;
	s21 =	sand.u32 $0x7F, s30;
	v5 =	vbroadcast v4, $0x0  }
0x98: {  	p3 =	por $0x0, $0x0;
	s26 =	sand.u32 $0x80, s9;
	s9 =	sshll.u32 s30, $0x1  }
0x99: {  	s23 =	sor.u32 $0x5000, s26;
	s26 =	ssub.s32 s28, s30;
	s12 =	sand.u32 $0xFFFFFF00, s9;
	v4 =	vadd.s32 v0, v5;
	v5 =	vadd.s32 v1, v5  }
0x9a: {  	s11 =	sadd.s32 s12, s23  }
0x9b: {  	s11 =	sadd.s32 s21, s11  }
0x9c: {  	v6 =	vld [tilespmem:s11+$0x0];
	_ =	sdelay $0x4  }
0x9d: {  	(v2sf) =	vpush v6, $0x0;
	_ =	sdelay $0xe  }
0x9e: {  	s21 =	spop (v2sf)  }
0x9f: {  	s14 =	sshra.s32 s21, $0xC  }
0xa0: {  	s12 =	sadd.s32 s3, s14  }
0xa1: {  	v6 =	vmov s12  }
0xa2: {  	v7 =	vshll.u32 v6, $0x3  }
0xa3: {  	v7 =	vand.u32 $0xFFFFFC00, v7  }
0xa4: {  	v6 =	vand.u32 $0x7F, v6;
	v8 =	vadd.s32 v5, v7  }
0xa5: {  	v7 =	vadd.s32 v4, v7;
	v8 =	vor.u32 v6, v8  }
0xa6: {  	s11 =	sand.u32 $0xFFF, s21;
	v7 =	vor.u32 v6, v7  }
0xa7: {  	s11 =	smul.u32 $0x340, s11  }
0xa8: {  	s14 =	sadd.s32 $0x1, s6  }
0xa9: {  	p4 =	sne.s32 s31, s14;
	s11 =	sadd.s32 s0, s11  }
.Ltmp8:
0xaa: {  	p3 =	slt.s32 s20, $0x40;
	s17 =	sshrl.u32 s11, $0x3;
	v6 =	vld.idx.msk [tilespmem:v8+s22+$0x0], $0xffff;
	(pc) =	sbr.rel @!p4 .LBB2_14-.Ltmp8, $4  }
0xab: {  	s9 =	sadd.s32 $0x2, s9;
	s11 =	sadd.s32 s2, s17;
	s17 =	simm.s32 @!p3 $0x2;
	v7 =	vld.idx.msk [tilespmem:v7+s22+$0x0], $0xffff  }
0xac: {  	s28 =	sadd.s32 $0x1, s20;
	s21 =	sand.u32 $0x7F, s6;
	_ =	swait.ge @!p3 [sflag:s17], $0x20  }
0xad: {  	s6 =	sadd.s32 $0x80, s10;
	s12 =	sand.u32 $0xFFFFFF00, s9;
	[sflag:s17] =	ssyncset.done @!p3 $0x0  }
0xae: {  	[sflag:s17] =	ssyncadd.s32 @!p3 $0xFFFFFFE0;
	s17 =	sand.u32 $0x1F80, s10;
	p3 =	por $0x1, $0x1  }
.LBB2_15:
0xaf: {  	s10 =	sand.u32 $0x7F, s14;
	s14 =	sadd.s32 $0x1, s14;
	s12 =	sadd.s32 s12, s23;
	[tilespmem:s17+$0x1D110] =	vst v6  }
0xb0: {  	p4 =	sne.s32 s31, s14;
	s12 =	sadd.s32 s21, s12;
	s21 =	sadd.s32 $0x1D100, s17;
	[tilespmem:s17+$0x1D100] =	vst v7  }
0xb1: {  	[hbm4b:s11+s4] =	stream.linear.scatter [tilespmem:s21], [sflag:$0x2], $0x20, $0x38;
	[tilespmem:$0x1F100] =	vst v63  }
0xb2: {  	s21 =	smov.u32 s10;
	s10 =	smov.u32 s6;
	v6 =	vld [tilespmem:s12+$0x0];
	_ =	sdelay $0x4  }
0xb3: {  	(v2sf) =	vpush v6, $0x0;
	_ =	sdelay $0xe  }
0xb4: {  	s11 =	spop (v2sf)  }
0xb5: {  	s12 =	sshra.s32 s11, $0xC;
	s11 =	sand.u32 $0xFFF, s11  }
0xb6: {  	s12 =	sadd.s32 s3, s12;
	s11 =	smul.u32 $0x340, s11  }
0xb7: {  	v6 =	vmov s12  }
0xb8: {  	v7 =	vshll.u32 v6, $0x3;
	s11 =	sadd.s32 s0, s11  }
0xb9: {  	v7 =	vand.u32 $0xFFFFFC00, v7;
	s11 =	sshrl.u32 s11, $0x3  }
0xba: {  	v6 =	vand.u32 $0x7F, v6;
	v8 =	vadd.s32 v4, v7;
	v7 =	vadd.s32 v5, v7;
	s11 =	sadd.s32 s2, s11  }
0xbb: {  	v8 =	vor.u32 v6, v8;
	v6 =	vor.u32 v6, v7;
	_ =	sdelay $0x4  }
0xbc: {  	v6 =	vld.idx.msk [tilespmem:v6+s22+$0x0], $0xffff  }
.Ltmp9:
0xbd: {  	p5 =	slt.s32 s28, $0x40;
	v7 =	vld.idx.msk [tilespmem:v8+s22+$0x0], $0xffff;
	(pc) =	sbr.rel @p4 .LBB2_15-.Ltmp9, $4  }
0xbe: {  	s17 =	simm.s32 @!p5 $0x2  }
0xbf: {  	s6 =	sadd.s32 $0x80, s6;
	_ =	swait.ge @!p5 [sflag:s17], $0x20  }
0xc0: {  	s28 =	sadd.s32 $0x1, s28;
	s9 =	sadd.s32 $0x2, s9;
	[sflag:s17] =	ssyncset.done @!p5 $0x0  }
0xc1: {  	s12 =	sand.u32 $0xFFFFFF00, s9;
	[sflag:s17] =	ssyncadd.s32 @!p5 $0xFFFFFFE0;
	s17 =	sand.u32 $0x1F80, s10  }
.Ltmp10:
0xc2: {  	(pc) =	sbr.rel .LBB2_17-.Ltmp10, $2  }
0xc3: {  	_ =	sdelay $0x2  }
0xc4: {  	s10 =	smov.u32 s6  }
.LBB2_14:
.Ltmp11:
0xc5: {  	(pc) =	sbr.rel .LBB2_17-.Ltmp11, $2  }
0xc6: {  	_ =	sdelay $0x2  }
0xc7: {  	s10 =	smov.u32 s6  }
.LBB2_19:
.Ltmp12:
0xc8: {  	(pc) =	sbr.rel @p1 .LBB2_23-.Ltmp12, $1  }
0xc9: {  	_ =	sdelay $0x3  }
0xca: {  	s0 =	simm.s32 $0x5000  }
0xcb: {  	s3 =	simm.s32 $0x10;
	s9 =	sadd.s32 $0x0, s13;
	s6 =	simm.s32 $0x5100  }
.LBB2_21:
0xcc: {  	[tilespmem:s0], [sflag:$0x4] =	stream.linear.gather [hbm4b:s9+s4], $0x80, $0x38;
	[tilespmem:$0x1F100] =	vst v63  }
0xcd: {  	s9 =	smov.u32 s3;
	s0 =	smov.u32 s6;
	p3 =	sne.s32 s3, $0x1F0  }
.Ltmp13:
0xce: {  	s3 =	sadd.s32 $0x10, s3;
	(pc) =	sbr.rel @p3 .LBB2_21-.Ltmp13, $2  }
0xcf: {  	_ =	sdelay $0x2  }
0xd0: {  	s6 =	sadd.s32 $0x100, s6;
	s9 =	sadd.s32 s9, s13  }
0xd1: {  	[tilespmem:s0], [sflag:$0x4] =	stream.linear.gather [hbm4b:s9+s4], $0x80, $0x38;
	[tilespmem:$0x1F100] =	vst v63  }
0xd2: {  	_ =	swait.ge [sflag:s18], $0x1000  }
0xd3: {  	s3 =	simm.s32 $0xC3800;
	[sflag:s18] =	ssyncset.done $0x0  }
0xd4: {  	s6 =	simm.s32 $0x800;
	s29 =	rddreg [dreg:$0x9];
	[sflag:s18] =	ssyncadd.s32 $0xFFFFF000  }
0xd5: {  	[tilespmem:s24], [sflag:$0x4] =	stream.strided.gather [hbm4b:s29+s6], $0x2000, s3, s6, $0x38;
	[tilespmem:$0x1F100] =	vst v63  }
0xd6: {  	_ =	swait.ge [sflag:s18], $0x2000  }
0xd7: {  	[sflag:s18] =	ssyncset.done $0x0  }
0xd8: {  	[sflag:s18] =	ssyncadd.s32 $0xFFFFE000  }
.LBB2_23:
0xd9: {  	v4 =	vld [tilespmem:s15+$0x30C]  }
0xda: {  	v5 =	vld [tilespmem:s15+$0x30E];
	_ =	sdelay $0x3  }
0xdb: {  	(v2sf) =	vpush v4, $0x0  }
0xdc: {  	(v2sf) =	vpush v5, $0x0;
	_ =	sdelay $0xd  }
0xdd: {  	s3 =	spop (v2sf)  }
0xde: {  	s0 =	spop (v2sf)  }
0xdf: {  	s3 =	simm.s32 @!p2 $0x0;
	s0 =	simm.s32 @!p2 $0x0  }
0xe0: {  	p3 =	sle.s32 s0, s3  }
.Ltmp14:
0xe1: {  	_ = 	snop;
	(pc) =	sbr.rel @p3 .LBB2_24-.Ltmp14, $1  }
0xe2: {  	_ =	sdelay $0x3  }
0xe3: {  	p3 =	sgt.s32 s30, s31  }
0xe4: {  	s31 =	smov.u32 @p3 s30  }
0xe5: {  	s6 =	sadd.s32 s31, s20  }
0xe6: {  	s6 =	ssub.s32 s6, s30  }
0xe7: {  	s10 =	sshll.u32 s6, $0x7;
	s6 =	sadd.s32 $0x1, s3  }
0xe8: {  	p4 =	seq.s32 s0, s6  }
.Ltmp15:
0xe9: {  	_ = 	snop;
	(pc) =	sbr.rel @p4 .LBB2_26-.Ltmp15, $4  }
0xea: {  	_ = 	snop  }
0xeb: {  	s9 =	ssub.s32 s0, s3  }
0xec: {  	s28 =	sadd.s32 s26, s9;
	p3 =	por $0x0, $0x0;
	s31 =	sshll.u32 s3, $0x1  }
0xed: {  	s12 =	sand.u32 $0xFFFFFF00, s31;
	s9 =	sadd.s32 $0x2, s31;
	s3 =	sand.u32 $0x7F, s3  }
0xee: {  	s3 =	sor.u32 s3, s12  }
0xef: {  	v4 =	vld [tilespmem:s3+$0x5000];
	_ =	sdelay $0x4  }
0xf0: {  	(v2sf) =	vpush v4, $0x0;
	_ =	sdelay $0xe  }
0xf1: {  	s30 =	spop (v2sf)  }
0xf2: {  	s11 =	sshra.s32 s30, $0xC  }
0xf3: {  	s11 =	sadd.s32 $0xFFFE7A00, s11  }
0xf4: {  	v4 =	vmov s11  }
0xf5: {  	v5 =	vshll.u32 v4, $0x3  }
0xf6: {  	v4 =	vand.u32 $0x7F, v4;
	v5 =	vand.u32 $0xFFFFFC00, v5  }
0xf7: {  	v4 =	vor.u32 v4, v5  }
0xf8: {  	v5 =	vadd.s32 v3, v4  }
0xf9: {  	v4 =	vadd.s32 v2, v4;
	_ =	sdelay $0x1  }
0xfa: {  	s14 =	sadd.s32 $0x1, s6;
	s3 =	sand.u32 $0xFFF, s30  }
0xfb: {  	p3 =	slt.s32 s26, $0x40;
	p4 =	seq.s32 s0, s14;
	s31 =	smul.u32 $0x340, s3  }
.Ltmp16:
0xfc: {  	s26 =	sadd.s32 $0x1, s26;
	s20 =	sadd.s32 $0x80, s10;
	v5 =	vld.idx.msk [tilespmem:v5+s24+$0x0], $0xffff;
	(pc) =	sbr.rel @p4 .LBB2_28-.Ltmp16, $4  }
0xfd: {  	s21 =	sand.u32 $0x1F80, s10;
	s12 =	simm.s32 @!p3 $0x2;
	s3 =	sand.u32 $0x7F, s6;
	v4 =	vld.idx.msk [tilespmem:v4+s24+$0x0], $0xffff  }
0xfe: {  	s6 =	sand.u32 $0xFFFFFF00, s9;
	s11 =	sadd.s32 s16, s31;
	_ =	swait.ge @!p3 [sflag:s12], $0x20  }
0xff: {  	s9 =	sadd.s32 $0x2, s9;
	s11 =	sshrl.u32 s11, $0x3;
	[sflag:s12] =	ssyncset.done @!p3 $0x0  }
0x100: {  	s11 =	sadd.s32 s2, s11;
	[sflag:s12] =	ssyncadd.s32 @!p3 $0xFFFFFFE0;
	p3 =	por $0x1, $0x1  }
.LBB2_29:
0x101: {  	s10 =	sand.u32 $0x7F, s14;
	s14 =	sadd.s32 $0x1, s14;
	s12 =	sadd.s32 $0x1D100, s21;
	[tilespmem:s21+$0x1D110] =	vst v5  }
0x102: {  	s3 =	sor.u32 s3, s6;
	s6 =	sand.u32 $0xFFFFFF00, s9;
	p4 =	seq.s32 s0, s14;
	[tilespmem:s21+$0x1D100] =	vst v4  }
0x103: {  	[hbm4b:s11+s4] =	stream.linear.scatter [tilespmem:s12], [sflag:$0x2], $0x20, $0x38;
	[tilespmem:$0x1F100] =	vst v63  }
0x104: {  	v4 =	vld [tilespmem:s3+$0x5000];
	s3 =	smov.u32 s10;
	s10 =	smov.u32 s20;
	_ =	sdelay $0x4  }
0x105: {  	(v2sf) =	vpush v4, $0x0;
	_ =	sdelay $0xe  }
0x106: {  	s11 =	spop (v2sf)  }
0x107: {  	s12 =	sshra.s32 s11, $0xC;
	s11 =	sand.u32 $0xFFF, s11  }
0x108: {  	s12 =	sadd.s32 $0xFFFE7A00, s12;
	s11 =	smul.u32 $0x340, s11  }
0x109: {  	v4 =	vmov s12  }
0x10a: {  	v5 =	vshll.u32 v4, $0x3;
	s11 =	sadd.s32 s16, s11  }
0x10b: {  	v4 =	vand.u32 $0x7F, v4;
	v5 =	vand.u32 $0xFFFFFC00, v5;
	s11 =	sshrl.u32 s11, $0x3  }
0x10c: {  	v4 =	vor.u32 v4, v5;
	s11 =	sadd.s32 s2, s11  }
0x10d: {  	v6 =	vadd.s32 v2, v4;
	v4 =	vadd.s32 v3, v4;
	_ =	sdelay $0x4  }
0x10e: {  	v5 =	vld.idx.msk [tilespmem:v4+s24+$0x0], $0xffff  }
.Ltmp17:
0x10f: {  	p5 =	slt.s32 s26, $0x40;
	v4 =	vld.idx.msk [tilespmem:v6+s24+$0x0], $0xffff;
	(pc) =	sbr.rel @!p4 .LBB2_29-.Ltmp17, $4  }
0x110: {  	s12 =	simm.s32 @!p5 $0x2  }
0x111: {  	_ =	swait.ge @!p5 [sflag:s12], $0x20  }
0x112: {  	s26 =	sadd.s32 $0x1, s26;
	s20 =	sadd.s32 $0x80, s20;
	[sflag:s12] =	ssyncset.done @!p5 $0x0  }
0x113: {  	s9 =	sadd.s32 $0x2, s9;
	s21 =	sand.u32 $0x1F80, s10;
	[sflag:s12] =	ssyncadd.s32 @!p5 $0xFFFFFFE0  }
0x114: {  	s12 =	smov.u32 s6;
	s10 =	smov.u32 s20  }
.LBB2_31:
0x115: {  	[tilespmem:s21+$0x1D110] =	vst @p3 v5  }
0x116: {  	s0 =	sadd.s32 @p3 $0x1D100, s21;
	s3 =	sor.u32 s3, s12;
	[tilespmem:s21+$0x1D100] =	vst @p3 v4  }
0x117: {  	[hbm4b:s11+s4] =	stream.linear.scatter @p3 [tilespmem:s0], [sflag:$0x2], $0x20, $0x38;
	[tilespmem:$0x1F100] =	vst v63  }
0x118: {  	v4 =	vld [tilespmem:s3+$0x5000];
	_ =	sdelay $0x4  }
0x119: {  	(v2sf) =	vpush v4, $0x0;
	_ =	sdelay $0xe  }
0x11a: {  	s29 =	spop (v2sf)  }
0x11b: {  	s30 =	sshra.s32 s29, $0xC  }
0x11c: {  	s3 =	sadd.s32 $0xFFFE7A00, s30  }
0x11d: {  	v4 =	vmov s3  }
0x11e: {  	v5 =	vshll.u32 v4, $0x3  }
0x11f: {  	v4 =	vand.u32 $0x7F, v4;
	v5 =	vand.u32 $0xFFFFFC00, v5  }
0x120: {  	v4 =	vor.u32 v4, v5  }
0x121: {  	v5 =	vadd.s32 v3, v4  }
0x122: {  	v4 =	vadd.s32 v2, v4;
	_ =	sdelay $0x3  }
0x123: {  	p3 =	slt.s32 s26, $0x40;
	v5 =	vld.idx.msk [tilespmem:v5+s24+$0x0], $0xffff  }
0x124: {  	s0 =	sand.u32 $0xFFF, s29;
	s3 =	simm.s32 @!p3 $0x2;
	v4 =	vld.idx.msk [tilespmem:v4+s24+$0x0], $0xffff  }
0x125: {  	s0 =	smul.u32 $0x340, s0;
	_ =	swait.ge @!p3 [sflag:s3], $0x20  }
.Ltmp18:
0x126: {  	[sflag:s3] =	ssyncset.done @!p3 $0x0;
	(pc) =	sbr.rel .LBB2_32-.Ltmp18, $4  }
0x127: {  	s31 =	sand.u32 $0x1F80, s10;
	s0 =	sadd.s32 s16, s0;
	[sflag:s3] =	ssyncadd.s32 @!p3 $0xFFFFFFE0  }
0x128: {  	s0 =	sshrl.u32 s0, $0x3;
	[tilespmem:s31+$0x1D110] =	vst v5  }
0x129: {  	s6 =	sadd.s32 $0x1D100, s31;
	s0 =	sadd.s32 s2, s0;
	[tilespmem:s31+$0x1D100] =	vst v4  }
0x12a: {  	[hbm4b:s0+s4] =	stream.linear.scatter [tilespmem:s6], [sflag:$0x2], $0x20, $0x38;
	[tilespmem:$0x1F100] =	vst v63  }
.LBB2_24:
0x12b: {  	s28 =	smov.u32 s26  }
.LBB2_32:
0x12c: {  	p3 =	sle.s32 s28, $0x0  }
0x12d: {  	s3 =	simm.s32 @!p3 $0x2  }
0x12e: {  	_ =	swait.ge @!p3 [sflag:s3], $0x20  }
0x12f: {  	s0 =	simm.s32 $0x1;
	[sflag:s3] =	ssyncset.done @!p3 $0x0  }
.LBB2_33:
0x130: {  	[sflag:s3] =	ssyncadd.s32 @!p3 $0xFFFFFFE0;
	s3 =	smov.u32 s0;
	s0 =	sadd.s32 $0x1, s0  }
0x131: {  	p4 =	sne.s32 s0, $0x40  }
.Ltmp19:
0x132: {  	(pc) =	sbr.rel @p4 .LBB2_33-.Ltmp19, $4  }
0x133: {  	p3 =	sle.s32 s28, s3  }
0x134: {  	s3 =	simm.s32 @!p3 $0x2  }
0x135: {  	_ =	swait.ge @!p3 [sflag:s3], $0x20  }
0x136: {  	[sflag:s3] =	ssyncset.done @!p3 $0x0  }
0x137: {  	s25 =	sadd.s32 $0x1, s25;
	s0 =	rddreg [dreg:$0xa]  }
0x138: {  	p4 =	sne.s32 s25, s0  }
.Ltmp20:
0x139: {  	_ = 	snop;
	(pc) =	sbr.rel @p4 .LBB2_1-.Ltmp20, $4  }
.Ltmp21:
0x13a: {  	_ = 	snop;
	(pc) =	sbr.rel @!p4 .LBB2_35-.Ltmp21, $4  }
0x13b: {  	_ = 	snop  }
0x13c: {  	_ = 	snop  }
0x13d: {  	[sflag:s3] =	ssyncadd.s32 @!p3 $0xFFFFFFE0  }
0x13e: {  	_ = 	snop  }
.LBB2_26:
.Ltmp22:
0x13f: {  	(pc) =	sbr.rel .LBB2_31-.Ltmp22, $2  }
0x140: {  	_ =	sdelay $0x2  }
0x141: {  	_ = 	snop  }
.LBB2_28:
.Ltmp23:
0x142: {  	(pc) =	sbr.rel .LBB2_31-.Ltmp23, $2  }
0x143: {  	_ =	sdelay $0x2  }
0x144: {  	s12 =	smov.u32 s6;
	s10 =	smov.u32 s20  }
.LBB2_35:
0x145: {  	_ =	sfence.sel $0x180000  }
0x146: {  	[bflag:$0x0] =	sbarrier.arrive $0xFFFF  }
0x147: {  	_ =	strace $0x9000004A  }
0x148: {  	s0 =	stileid.u32;
	[bflag:$0x2] =	sbarrier.arrive $0xFFFF  }
0x149: {  	p0 =	sne.s32 s0, $0x0;
	s0 =	rddreg [dreg:$0x3]  }
0x14a: {  	s0 =	sadd.s32 @!p0 $0x100000, s0  }
0x14b: {  	[sflag:s0] =	ssyncadd.tile.s32 @!p0 $0x1;
	_ =	shalt  }
.Lfunc_end2:
_tile_overlayer_lowered:
.L_overlay_start_2:
0x14c: {  	(tag) =	ssettag $0x2  }
0x14d: {  	s0 =	rddreg [dreg:$0x0];
	s2 =	stileid.u32  }
0x14e: {  	s1 =	rddreg [dreg:$0x1];
	p0 =	sne.s32 s2, $0x0  }
0x14f: {  	s3 =	rddreg [dreg:$0x2];
	[bflag:$0x3] =	sbarrier.arrive $0xFFFF;
	s2 =	simm.s32 @!p0 $0x1C04  }
0x150: {  	[timem:s3], [sflag:s2] =	dma.local @!p0 [hbm:s0], s1  }
0x151: {  	s0 =	simm.s32 @!p0 $0x4  }
0x152: {  	_ =	swait.ge @!p0 [sflag:s0], s1  }
0x153: {  	s1 =	ssub.s32 @!p0 $0x0, s1;
	[sflag:s0] =	ssyncset.done @!p0 $0x0  }
0x154: {  	[sflag:s0] =	ssyncadd.s32 @!p0 s1  }
0x155: {  	[bflag:$0x3] =	sbarrier.arrive $0xFFFF  }
0x156: {  	_ =	shalt  }

</sc_bundles>
